<compile_context>
chip_gen: v7x
topology: tpu7x:2x2x1
jax: 0.10.2.dev20260603
libtpu: 0.0.44.dev20260713+nightly
codegen_flags: <defaults>
</compile_context>

<pallas_src>
import functools

import jax
import jax.numpy as jnp
from jax import lax
from jax.experimental import pallas as pl
from jax.experimental.pallas import tpu as pltpu
from jax.experimental.pallas import tpu_sc as plsc

B = 4
N = 2048
HALF = N // 2
FEAT = 256
SDIM = 5
OUT = 512
K = 16

_NC = 2
_NS = 16
_NW = _NC * _NS
_ROWS_PER_W = (B * HALF * K) // _NW
_CHUNK = 64


def _fps_body(spt_ref, out_ref):
    spt = spt_ref[...]
    iota = lax.broadcasted_iota(jnp.int32, (B, N), 1)
    iota_h = lax.broadcasted_iota(jnp.int32, (B, HALF), 1)
    onehot0 = (iota == 0).astype(jnp.float32)
    rem0 = 1.0 - onehot0
    dist0 = jnp.full((B, N), jnp.inf, dtype=jnp.float32)
    sel0 = jnp.zeros((B, HALF), jnp.int32)

    def body(i, carry):
        dist, rem, onehot, sel = carry
        sq = []
        for d in range(SDIM):
            row = spt[:, d, :]
            cd = jnp.sum(onehot * row, axis=-1, keepdims=True)
            diff = cd - row
            sq.append(diff * diff)
        d2 = ((sq[0] + sq[4]) + sq[2]) + (sq[1] + sq[3])
        dist = jnp.where(rem > 0, jnp.minimum(d2, dist), dist)
        masked = jnp.where(rem > 0, dist, -jnp.inf)
        m = jnp.max(masked, axis=-1, keepdims=True)
        g = jnp.min(jnp.where(masked == m, iota, jnp.int32(1 << 30)),
                    axis=-1, keepdims=True)
        sel = jnp.where(iota_h == i, g, sel)
        rank_f = jnp.sum(jnp.where(iota < g, rem, 0.0), axis=-1, keepdims=True)
        rank = rank_f.astype(jnp.int32)
        rem = jnp.where(iota == rank, 0.0, rem)
        onehot = (iota == g).astype(jnp.float32)
        return dist, rem, onehot, sel

    _, _, _, sel = lax.fori_loop(1, HALF, body, (dist0, rem0, onehot0, sel0),
                                 unroll=3)
    out_ref[...] = sel


def _fps(sp_t):
    return pl.pallas_call(
        _fps_body,
        out_shape=jax.ShapeDtypeStruct((B, HALF), jnp.int32),
        in_specs=[pl.BlockSpec((B, SDIM, N), lambda: (0, 0, 0))],
        out_specs=pl.BlockSpec((B, HALF), lambda: (0, 0)),
    )(sp_t)


_CB = 256
_NCB = HALF // _CB


def _knn_body(spt_ref, idx_ref, keep_ref, cent_ref):
    spt = spt_ref[0]
    cidx = idx_ref[0]
    iota = lax.broadcasted_iota(jnp.int32, (_CB, N), 1)
    onehot = (iota == cidx).astype(jnp.float32)

    sq = []
    cols = []
    for d in range(SDIM):
        row = spt[d:d + 1, :]
        cd = jnp.sum(onehot * row, axis=-1, keepdims=True)
        cols.append(cd)
        diff = cd - row
        sq.append(diff * diff)
    cent_ref[0] = jnp.concatenate(cols, axis=-1)
    acc = ((sq[0] + sq[4]) + sq[2]) + (sq[1] + sq[3])
    dist = jnp.sqrt(acc)

    idxs = []
    for _ in range(K + 1):
        m = jnp.min(dist, axis=-1, keepdims=True)
        j = jnp.min(jnp.where(dist == m, iota, jnp.int32(1 << 30)),
                    axis=-1, keepdims=True)
        idxs.append(j)
        dist = jnp.where(iota == j, jnp.inf, dist)

    cum = jnp.zeros_like(cidx, dtype=jnp.bool_)
    keep = []
    for t in range(K):
        cum = jnp.logical_or(cum, idxs[t] == cidx)
        keep.append(jnp.where(cum, idxs[t + 1], idxs[t]))
    keep_ref[0] = jnp.concatenate(keep, axis=-1)


def _knn(sp_t, idx3):
    grid = (B, _NCB)
    return pl.pallas_call(
        _knn_body,
        grid=grid,
        out_shape=(
            jax.ShapeDtypeStruct((B, HALF, K), jnp.int32),
            jax.ShapeDtypeStruct((B, HALF, SDIM), jnp.float32),
        ),
        in_specs=[
            pl.BlockSpec((1, SDIM, N), lambda b, j: (b, 0, 0)),
            pl.BlockSpec((1, _CB, 1), lambda b, j: (b, j, 0)),
        ],
        out_specs=(
            pl.BlockSpec((1, _CB, K), lambda b, j: (b, j, 0)),
            pl.BlockSpec((1, _CB, SDIM), lambda b, j: (b, j, 0)),
        ),
    )(sp_t, idx3)


_LB = 256


def _linear_body(x_ref, sp_ref, wf_ref, ws_ref, b_ref, z_ref):
    z = jnp.dot(x_ref[0], wf_ref[...], preferred_element_type=jnp.float32)
    z = z + jnp.dot(sp_ref[0], ws_ref[...], preferred_element_type=jnp.float32)
    z_ref[0] = z + b_ref[...]


def _linear(x, sp, wf_t, ws_t, bias2):
    grid = (B, N // _LB)
    return pl.pallas_call(
        _linear_body,
        grid=grid,
        out_shape=jax.ShapeDtypeStruct((B, N, OUT), jnp.float32),
        in_specs=[
            pl.BlockSpec((1, _LB, FEAT), lambda b, j: (b, j, 0)),
            pl.BlockSpec((1, _LB, SDIM), lambda b, j: (b, j, 0)),
            pl.BlockSpec((FEAT, OUT), lambda b, j: (0, 0)),
            pl.BlockSpec((SDIM, OUT), lambda b, j: (0, 0)),
            pl.BlockSpec((1, OUT), lambda b, j: (0, 0)),
        ],
        out_specs=pl.BlockSpec((1, _LB, OUT), lambda b, j: (b, j, 0)),
    )(x, sp, wf_t, ws_t, bias2)


def _sc_gather_body(table_hbm, idx_hbm, out_hbm, idx_v, rows_v, sem):
    wid = lax.axis_index("s") * _NC + lax.axis_index("c")
    nchunks = _ROWS_PER_W // _CHUNK
    pltpu.sync_copy(idx_hbm.at[pl.ds(wid * nchunks, nchunks)], idx_v)

    pltpu.async_copy(table_hbm.at[idx_v.at[0]], rows_v.at[0], sem)

    def chunk(j, _):
        pltpu.make_async_copy(table_hbm.at[idx_v.at[j]],
                              rows_v.at[j % 2], sem).wait()

        @pl.when(j + 1 < nchunks)
        def _next():
            pltpu.async_copy(table_hbm.at[idx_v.at[j + 1]],
                             rows_v.at[(j + 1) % 2], sem)

        pltpu.sync_copy(
            rows_v.at[j % 2],
            out_hbm.at[pl.ds(wid * _ROWS_PER_W + j * _CHUNK, _CHUNK)])
        return 0

    lax.fori_loop(0, nchunks, chunk, 0, unroll=False)


def _sc_gather(table, idx2):
    mesh = plsc.VectorSubcoreMesh(
        core_axis_name="c", subcore_axis_name="s",
        num_cores=_NC, num_subcores=_NS)
    kern = pl.kernel(
        _sc_gather_body,
        out_type=jax.ShapeDtypeStruct((B * HALF * K, OUT), jnp.float32),
        mesh=mesh,
        scratch_types=[
            pltpu.VMEM((_ROWS_PER_W // _CHUNK, _CHUNK), jnp.int32),
            pltpu.VMEM((2, _CHUNK, OUT), jnp.float32),
            pltpu.SemaphoreType.DMA,
        ],
    )
    return kern(table, idx2)


_RB = 128


def _reduce_body(g_ref, cent_ref, ws_ref, pmax_ref, pmin_ref, s_ref, sq_ref):
    k = pl.program_id(2)
    q = jnp.dot(cent_ref[0, 0], ws_ref[...],
                preferred_element_type=jnp.float32)
    t = g_ref[0, 0] - q
    rs = jnp.sum(t, axis=-1, keepdims=True)
    rsq = jnp.sum(t * t, axis=-1, keepdims=True)

    @pl.when(k == 0)
    def _init():
        pmax_ref[0, 0] = t
        pmin_ref[0, 0] = t
        s_ref[0, 0] = rs
        sq_ref[0, 0] = rsq

    @pl.when(k > 0)
    def _acc():
        pmax_ref[0, 0] = jnp.maximum(pmax_ref[0, 0], t)
        pmin_ref[0, 0] = jnp.minimum(pmin_ref[0, 0], t)
        s_ref[0, 0] = s_ref[0, 0] + rs
        sq_ref[0, 0] = sq_ref[0, 0] + rsq


def _reduce5(g4, cent4, ws_t):
    nrb = HALF // _RB
    grid = (B, nrb, K)
    return pl.pallas_call(
        _reduce_body,
        grid=grid,
        out_shape=(
            jax.ShapeDtypeStruct((B, nrb, _RB, OUT), jnp.float32),
            jax.ShapeDtypeStruct((B, nrb, _RB, OUT), jnp.float32),
            jax.ShapeDtypeStruct((B, nrb, _RB, 1), jnp.float32),
            jax.ShapeDtypeStruct((B, nrb, _RB, 1), jnp.float32),
        ),
        in_specs=[
            pl.BlockSpec((1, 1, _RB, OUT), lambda b, j, k: (k, b * nrb + j, 0, 0)),
            pl.BlockSpec((1, 1, _RB, SDIM), lambda b, j, k: (b, j, 0, 0)),
            pl.BlockSpec((SDIM, OUT), lambda b, j, k: (0, 0)),
        ],
        out_specs=(
            pl.BlockSpec((1, 1, _RB, OUT), lambda b, j, k: (b, j, 0, 0)),
            pl.BlockSpec((1, 1, _RB, OUT), lambda b, j, k: (b, j, 0, 0)),
            pl.BlockSpec((1, 1, _RB, 1), lambda b, j, k: (b, j, 0, 0)),
            pl.BlockSpec((1, 1, _RB, 1), lambda b, j, k: (b, j, 0, 0)),
        ),
    )(g4, cent4, ws_t)


def _final_body(pmax_ref, pmin_ref, s_ref, sq_ref, gam_ref, bet_ref, out_ref):
    cnt = jnp.float32(B * K * OUT)
    mean = jnp.sum(s_ref[...], axis=-1, keepdims=True) / cnt
    msq = jnp.sum(sq_ref[...], axis=-1, keepdims=True) / cnt
    var = msq - mean * mean
    scale = gam_ref[...] * lax.rsqrt(var + 1e-5)
    shift = bet_ref[...] - mean * scale
    val = jnp.where(scale >= 0, pmax_ref[...], pmin_ref[...]) * scale + shift
    out_ref[...] = jnp.maximum(val, 0.0)


def _finalize(pmax, pmin, s_t, sq_t, gam3, bet3):
    nrb = HALF // _RB
    grid = (nrb,)
    return pl.pallas_call(
        _final_body,
        grid=grid,
        out_shape=jax.ShapeDtypeStruct((B, nrb, _RB, OUT), jnp.float32),
        in_specs=[
            pl.BlockSpec((B, 1, _RB, OUT), lambda j: (0, j, 0, 0)),
            pl.BlockSpec((B, 1, _RB, OUT), lambda j: (0, j, 0, 0)),
            pl.BlockSpec((1, _RB, B), lambda j: (j, 0, 0)),
            pl.BlockSpec((1, _RB, B), lambda j: (j, 0, 0)),
            pl.BlockSpec((1, _RB, 1), lambda j: (j, 0, 0)),
            pl.BlockSpec((1, _RB, 1), lambda j: (j, 0, 0)),
        ],
        out_specs=pl.BlockSpec((B, 1, _RB, OUT), lambda j: (0, j, 0, 0)),
    )(pmax, pmin, s_t, sq_t, gam3, bet3)


def kernel(x, spatial, W, b, gamma, beta):
    sp_t = spatial.transpose(0, 2, 1)
    idx = _fps(sp_t)
    keep, cents = _knn(sp_t, idx.reshape(B, HALF, 1))

    wf_t = W[:, :FEAT].T
    ws_t = W[:, FEAT:].T
    z = _linear(x, spatial, wf_t, ws_t, b.reshape(1, OUT))

    keep_g = keep + (jnp.arange(B, dtype=jnp.int32) * N)[:, None, None]
    idx_perm = keep_g.transpose(2, 0, 1).reshape(-1)
    g = _sc_gather(z.reshape(B * N, OUT),
                   idx_perm.reshape(-1, _CHUNK))

    nrb = HALF // _RB
    g4 = g.reshape(K, B * nrb, _RB, OUT)
    pmax, pmin, s, sq = _reduce5(g4, cents.reshape(B, nrb, _RB, SDIM), ws_t)

    s_t = s.reshape(B, HALF).T.reshape(nrb, _RB, B)
    sq_t = sq.reshape(B, HALF).T.reshape(nrb, _RB, B)
    out = _finalize(pmax, pmin, s_t, sq_t,
                    gamma.reshape(nrb, _RB, 1), beta.reshape(nrb, _RB, 1))
    return out.reshape(B, HALF, OUT), cents

# --- scband reference (transcript-rebuilt; emitter-appended) ---
"""Pipeline reference for scband-set-feature-abstraction-82248623719064 (READ-ONLY COPY).

The authoritative reference and input builder live on the scoring server;
editing this copy changes nothing except your own understanding.
"""

import jax, jax.numpy as jnp
import numpy as np

FEATURE_DIM = 256
SPATIAL_DIM = 5
OUTPUT_DIM = 512
K = 16
B = 4
N = 2048

def setup_inputs(seed: int = 0):
    key = jax.random.key(seed)
    k1, k2, k3, k4 = jax.random.split(key, 4)
    x = jax.random.normal(k1, (B, N, FEATURE_DIM), dtype=jnp.float32)
    spatial = jax.random.uniform(k2, (B, N, SPATIAL_DIM), dtype=jnp.float32)
    W = jax.random.normal(k3, (OUTPUT_DIM, FEATURE_DIM + SPATIAL_DIM), dtype=jnp.float32) * (1.0 / np.sqrt(FEATURE_DIM + SPATIAL_DIM))
    b = jax.random.normal(k4, (OUTPUT_DIM,), dtype=jnp.float32) * 0.01
    gamma = jnp.ones((N // 2,), dtype=jnp.float32)
    beta = jnp.zeros((N // 2,), dtype=jnp.float32)
    return {"x": x, "spatial": spatial, "W": W, "b": b, "gamma": gamma, "beta": beta}

def _fps_single(points):
    n = points.shape[0]
    half = n // 2
    remaining = jnp.ones((n,), dtype=bool).at[0].set(False)
    distances = jnp.full((n,), jnp.inf, dtype=jnp.float32)
    sample_idxs = jnp.zeros((half,), dtype=jnp.int32)
    idx_range = jnp.arange(n)
    def body(i, carry):
        sample_idxs, remaining, distances = carry
        added = sample_idxs[i - 1]
        d = jnp.sum((points[added] - points) ** 2, axis=-1)
        distances = jnp.where(remaining, jnp.minimum(d, distances), distances)
        masked = jnp.where(remaining, distances, -jnp.inf)
        g = jnp.argmax(masked).astype(jnp.int32)
        sample_idxs = sample_idxs.at[i].set(g)
        # torch code removes the point whose *global* index equals the
        # positional argmax within the remaining subset (faithful to source)
        rank = jnp.sum(jnp.where(idx_range < g, remaining, False)).astype(jnp.int32)
        remaining = remaining.at[rank].set(False)
        return (sample_idxs, remaining, distances)
    sample_idxs, _, _ = jax.lax.fori_loop(1, half, body, (sample_idxs, remaining, distances))
    return sample_idxs

def _knn_single(x_b, spatial_b, sample_idxs):
    def per_centroid(i):
        dist = jnp.sqrt(jnp.sum((spatial_b[i] - spatial_b) ** 2, axis=-1))
        _, idxs = jax.lax.top_k(-dist, K + 1)
        mask = idxs != i
        order = jnp.argsort(jnp.logical_not(mask))
        keep = idxs[order][:K]
        return x_b[keep], spatial_b[keep]
    return jax.vmap(per_centroid)(sample_idxs)

def reference(x, spatial, W, b, gamma, beta):
    sample_idxs = jax.lax.stop_gradient(jax.vmap(_fps_single)(spatial))
    centroids = jnp.take_along_axis(spatial, sample_idxs[:, :, None].astype(jnp.int32), axis=1)
    neighbors_feature, neighbors_spatial = jax.vmap(_knn_single)(x, spatial, sample_idxs)
    relative = neighbors_spatial - centroids[:, :, None, :]
    concat = jnp.concatenate([neighbors_feature, relative], axis=-1)
    lin = concat @ W.T + b
    mean = jnp.mean(lin, axis=(0, 2, 3), keepdims=True)
    var = jnp.mean((lin - mean) ** 2, axis=(0, 2, 3), keepdims=True)
    bn = (lin - mean) / jnp.sqrt(var + 1e-5) * gamma[None, :, None, None] + beta[None, :, None, None]
    act = jax.nn.relu(bn)
    max_feature = jnp.max(act, axis=2)
    return (max_feature, centroids)

if __name__ == "__main__":
    import jax
    _d = setup_inputs()
    print(jax.jit(kernel)(*tuple(_d.values())))

</pallas_src>

<mosaic_0001>
#map = affine_map<(d0, d1) -> (0, 0)>
module attributes {stable_mosaic.version = 14 : i64} {
  func.func @_sc_gather_body(%arg0: i32, %arg1: i32, %arg2: memref<8192x512xf32, #tpu.memory_space<hbm>>, %arg3: memref<1024x64xi32, #tpu.memory_space<hbm>>, %arg4: memref<65536x512xf32, #tpu.memory_space<hbm>>, %arg5: memref<32x64xi32, #tpu.memory_space<vmem>>, %arg6: memref<2x64x512xf32, #tpu.memory_space<vmem>>, %arg7: memref<!tpu.dma_semaphore, #tpu.memory_space<semaphore_mem>>) attributes {dimension_semantics = [#tpu.dimension_semantics<core_parallel>, #tpu.dimension_semantics<subcore_parallel>], iteration_bounds = array<i64: 2, 16>, scalar_prefetch = 0 : i64, scratch_operands = 3 : i64, tpu.core_type = #tpu.core_type<sc_vector_subcore>, window_params = [{transform_indices = #map}, {transform_indices = #map}, {transform_indices = #map}]} {
    %mul3A = arith.constant 2 : i32
    %mul3A_0 = arith.muli %arg1, %mul3A : i32
    %add3A = arith.addi %mul3A_0, %arg0 : i32
    %mul3A_1 = arith.constant 32 : i32
    %mul3A_2 = arith.muli %add3A, %mul3A_1 : i32
    "tpu.region"() ({
      %run_scoped3A = tpu.sem_alloc : memref<!tpu.dma_semaphore, #tpu.memory_space<semaphore_mem>>
      %dma_start3A_20 = arith.constant 0 : i32
      %dma_start3A_21 = tpu.memref_slice %arg3[%mul3A_2, %dma_start3A_20] : memref<1024x64xi32, #tpu.memory_space<hbm>> -> memref<32x64xi32, #tpu.memory_space<hbm>>
      %dma_start3A_22 = arith.constant 0 : i32
      %dma_start3A_23 = tpu.memref_slice %arg3[%mul3A_2, %dma_start3A_22] : memref<1024x64xi32, #tpu.memory_space<hbm>> -> memref<32x64xi32, #tpu.memory_space<hbm>>
      tpu.enqueue_dma source(%dma_start3A_23 : memref<32x64xi32, #tpu.memory_space<hbm>>) target(%arg5 : memref<32x64xi32, #tpu.memory_space<vmem>>) target_semaphore(%run_scoped3A : memref<!tpu.dma_semaphore, #tpu.memory_space<semaphore_mem>>)
      %dma_wait3A = arith.constant 0 : i32
      %dma_wait3A_24 = tpu.memref_slice %arg3[%mul3A_2, %dma_wait3A] : memref<1024x64xi32, #tpu.memory_space<hbm>> -> memref<32x64xi32, #tpu.memory_space<hbm>>
      %dma_wait3A_25 = arith.constant 0 : i32
      %dma_wait3A_26 = tpu.memref_slice %arg3[%mul3A_2, %dma_wait3A_25] : memref<1024x64xi32, #tpu.memory_space<hbm>> -> memref<32x64xi32, #tpu.memory_space<hbm>>
      tpu.wait_dma2 semaphore(%run_scoped3A : memref<!tpu.dma_semaphore, #tpu.memory_space<semaphore_mem>>) src(%dma_wait3A_26 : memref<32x64xi32, #tpu.memory_space<hbm>>) dst(%arg5 : memref<32x64xi32, #tpu.memory_space<vmem>>)
      tpu.yield
    }) : () -> ()
    %dma_start3A = arith.constant 0 : i32
    %dma_start3A_3 = arith.constant 0 : i32
    %dma_start3A_4 = arith.constant 0 : i32
    %dma_start3A_5 = arith.constant 0 : i32
    %dma_start3A_6 = tpu.memref_slice %arg6[%dma_start3A_3, %dma_start3A_4, %dma_start3A_5] : memref<2x64x512xf32, #tpu.memory_space<vmem>> -> memref<1x64x512xf32, #tpu.memory_space<vmem>>
    %dma_start3A_7 = tpu.memref_squeeze %dma_start3A_6 : memref<1x64x512xf32, #tpu.memory_space<vmem>> -> memref<64x512xf32, #tpu.memory_space<vmem>>
    %dma_start3A_8 = arith.constant 0 : i32
    %dma_start3A_9 = tpu.memref_slice %arg5[%dma_start3A, %dma_start3A_8] : memref<32x64xi32, #tpu.memory_space<vmem>> -> memref<1x64xi32, #tpu.memory_space<vmem>>
    %dma_start3A_10 = tpu.memref_squeeze %dma_start3A_9 : memref<1x64xi32, #tpu.memory_space<vmem>> -> memref<64xi32, #tpu.memory_space<vmem>>
    %dma_start3A_11 = arith.constant 0 : i32
    %dma_start3A_12 = arith.constant 0 : i32
    %dma_start3A_13 = tpu.memref_slice %arg2[%dma_start3A_11, %dma_start3A_12] : memref<8192x512xf32, #tpu.memory_space<hbm>> -> memref<8192x512xf32, #tpu.memory_space<hbm>>
    tpu.enqueue_indirect_dma source(%dma_start3A_13 : memref<8192x512xf32, #tpu.memory_space<hbm>>) target(%dma_start3A_7 : memref<64x512xf32, #tpu.memory_space<vmem>>) offsets(%dma_start3A_10 : memref<64xi32, #tpu.memory_space<vmem>>) semaphore(%arg7 : memref<!tpu.dma_semaphore, #tpu.memory_space<semaphore_mem>>)
    %scan3A = arith.constant 0 : i32
    %scan3A_14 = arith.constant 0 : i32
    %scan3A_15 = arith.constant 32 : i32
    %scan3A_16 = arith.addi %scan3A_14, %scan3A_15 : i32
    %scan3A_17 = arith.constant 1 : i32
    %scan3A_18 = scf.for %scan3A_20 = %scan3A_14 to %scan3A_16 step %scan3A_17 iter_args(%scan3A_21 = %scan3A) -> (i32)  : i32 {
      %jit3A = arith.constant 2 : i32
      %eq3A = arith.constant 0 : i32
      %eq3A_22 = arith.cmpi eq, %jit3A, %eq3A : i32
      %jit3A_23 = arith.constant 1 : i32
      %select_n3A = arith.select %eq3A_22, %jit3A_23, %jit3A : i32
      %rem3A = arith.remsi %scan3A_20, %select_n3A : i32
      %ne3A = arith.constant 0 : i32
      %ne3A_24 = arith.cmpi ne, %rem3A, %ne3A : i32
      %lt3A = arith.constant 0 : i32
      %lt3A_25 = arith.cmpi slt, %rem3A, %lt3A : i32
      %lt3A_26 = arith.constant 0 : i32
      %lt3A_27 = arith.cmpi slt, %select_n3A, %lt3A_26 : i32
      %ne3A_28 = arith.xori %lt3A_25, %lt3A_27 : i1
      %and3A = arith.andi %ne3A_28, %ne3A_24 : i1
      %add3A_29 = arith.addi %rem3A, %select_n3A : i32
      %select_n3A_30 = arith.select %and3A, %add3A_29, %rem3A : i32
      %dma_wait3A = arith.constant 0 : i32
      %dma_wait3A_31 = arith.constant 0 : i32
      %dma_wait3A_32 = tpu.memref_slice %arg6[%select_n3A_30, %dma_wait3A, %dma_wait3A_31] : memref<2x64x512xf32, #tpu.memory_space<vmem>> -> memref<1x64x512xf32, #tpu.memory_space<vmem>>
      %dma_wait3A_33 = tpu.memref_squeeze %dma_wait3A_32 : memref<1x64x512xf32, #tpu.memory_space<vmem>> -> memref<64x512xf32, #tpu.memory_space<vmem>>
      %dma_wait3A_34 = arith.constant 0 : i32
      %dma_wait3A_35 = tpu.memref_slice %arg5[%scan3A_20, %dma_wait3A_34] : memref<32x64xi32, #tpu.memory_space<vmem>> -> memref<1x64xi32, #tpu.memory_space<vmem>>
      %dma_wait3A_36 = tpu.memref_squeeze %dma_wait3A_35 : memref<1x64xi32, #tpu.memory_space<vmem>> -> memref<64xi32, #tpu.memory_space<vmem>>
      %dma_wait3A_37 = arith.constant 0 : i32
      %dma_wait3A_38 = arith.constant 0 : i32
      %dma_wait3A_39 = tpu.memref_slice %arg2[%dma_wait3A_37, %dma_wait3A_38] : memref<8192x512xf32, #tpu.memory_space<hbm>> -> memref<8192x512xf32, #tpu.memory_space<hbm>>
      tpu.wait_indirect_dma semaphore(%arg7 : memref<!tpu.dma_semaphore, #tpu.memory_space<semaphore_mem>>) src(%dma_wait3A_39 : memref<8192x512xf32, #tpu.memory_space<hbm>>) dst(%dma_wait3A_33 : memref<64x512xf32, #tpu.memory_space<vmem>>)
      %add3A_40 = arith.constant 1 : i32
      %add3A_41 = arith.addi %scan3A_20, %add3A_40 : i32
      %lt3A_42 = arith.constant 32 : i32
      %lt3A_43 = arith.cmpi slt, %add3A_41, %lt3A_42 : i32
      %convert_element_type3A = arith.extui %lt3A_43 : i1 to i32
      %cond3A = arith.constant 0 : i32
      %cond3A_44 = arith.cmpi ne, %convert_element_type3A, %cond3A : i32
      scf.if %cond3A_44 {
        %add3A_67 = arith.constant 1 : i32
        %add3A_68 = arith.addi %scan3A_20, %add3A_67 : i32
        %add3A_69 = arith.constant 1 : i32
        %add3A_70 = arith.addi %scan3A_20, %add3A_69 : i32
        %jit3A_71 = arith.constant 2 : i32
        %eq3A_72 = arith.constant 0 : i32
        %eq3A_73 = arith.cmpi eq, %jit3A_71, %eq3A_72 : i32
        %jit3A_74 = arith.constant 1 : i32
        %select_n3A_75 = arith.select %eq3A_73, %jit3A_74, %jit3A_71 : i32
        %rem3A_76 = arith.remsi %add3A_70, %select_n3A_75 : i32
        %ne3A_77 = arith.constant 0 : i32
        %ne3A_78 = arith.cmpi ne, %rem3A_76, %ne3A_77 : i32
        %lt3A_79 = arith.constant 0 : i32
        %lt3A_80 = arith.cmpi slt, %rem3A_76, %lt3A_79 : i32
        %lt3A_81 = arith.constant 0 : i32
        %lt3A_82 = arith.cmpi slt, %select_n3A_75, %lt3A_81 : i32
        %ne3A_83 = arith.xori %lt3A_80, %lt3A_82 : i1
        %and3A_84 = arith.andi %ne3A_83, %ne3A_78 : i1
        %add3A_85 = arith.addi %rem3A_76, %select_n3A_75 : i32
        %select_n3A_86 = arith.select %and3A_84, %add3A_85, %rem3A_76 : i32
        %dma_start3A_87 = arith.constant 0 : i32
        %dma_start3A_88 = arith.constant 0 : i32
        %dma_start3A_89 = tpu.memref_slice %arg6[%select_n3A_86, %dma_start3A_87, %dma_start3A_88] : memref<2x64x512xf32, #tpu.memory_space<vmem>> -> memref<1x64x512xf32, #tpu.memory_space<vmem>>
        %dma_start3A_90 = tpu.memref_squeeze %dma_start3A_89 : memref<1x64x512xf32, #tpu.memory_space<vmem>> -> memref<64x512xf32, #tpu.memory_space<vmem>>
        %dma_start3A_91 = arith.constant 0 : i32
        %dma_start3A_92 = tpu.memref_slice %arg5[%add3A_68, %dma_start3A_91] : memref<32x64xi32, #tpu.memory_space<vmem>> -> memref<1x64xi32, #tpu.memory_space<vmem>>
        %dma_start3A_93 = tpu.memref_squeeze %dma_start3A_92 : memref<1x64xi32, #tpu.memory_space<vmem>> -> memref<64xi32, #tpu.memory_space<vmem>>
        %dma_start3A_94 = arith.constant 0 : i32
        %dma_start3A_95 = arith.constant 0 : i32
        %dma_start3A_96 = tpu.memref_slice %arg2[%dma_start3A_94, %dma_start3A_95] : memref<8192x512xf32, #tpu.memory_space<hbm>> -> memref<8192x512xf32, #tpu.memory_space<hbm>>
        tpu.enqueue_indirect_dma source(%dma_start3A_96 : memref<8192x512xf32, #tpu.memory_space<hbm>>) target(%dma_start3A_90 : memref<64x512xf32, #tpu.memory_space<vmem>>) offsets(%dma_start3A_93 : memref<64xi32, #tpu.memory_space<vmem>>) semaphore(%arg7 : memref<!tpu.dma_semaphore, #tpu.memory_space<semaphore_mem>>)
      } else {
      }
      %jit3A_45 = arith.constant 2 : i32
      %eq3A_46 = arith.constant 0 : i32
      %eq3A_47 = arith.cmpi eq, %jit3A_45, %eq3A_46 : i32
      %jit3A_48 = arith.constant 1 : i32
      %select_n3A_49 = arith.select %eq3A_47, %jit3A_48, %jit3A_45 : i32
      %rem3A_50 = arith.remsi %scan3A_20, %select_n3A_49 : i32
      %ne3A_51 = arith.constant 0 : i32
      %ne3A_52 = arith.cmpi ne, %rem3A_50, %ne3A_51 : i32
      %lt3A_53 = arith.constant 0 : i32
      %lt3A_54 = arith.cmpi slt, %rem3A_50, %lt3A_53 : i32
      %lt3A_55 = arith.constant 0 : i32
      %lt3A_56 = arith.cmpi slt, %select_n3A_49, %lt3A_55 : i32
      %ne3A_57 = arith.xori %lt3A_54, %lt3A_56 : i1
      %and3A_58 = arith.andi %ne3A_57, %ne3A_52 : i1
      %add3A_59 = arith.addi %rem3A_50, %select_n3A_49 : i32
      %select_n3A_60 = arith.select %and3A_58, %add3A_59, %rem3A_50 : i32
      %mul3A_61 = arith.constant 2048 : i32
      %mul3A_62 = arith.muli %add3A, %mul3A_61 : i32
      %mul3A_63 = arith.constant 64 : i32
      %mul3A_64 = arith.muli %scan3A_20, %mul3A_63 : i32
      %add3A_65 = arith.addi %mul3A_62, %mul3A_64 : i32
      "tpu.region"() ({
        %run_scoped3A = tpu.sem_alloc : memref<!tpu.dma_semaphore, #tpu.memory_space<semaphore_mem>>
        %dma_start3A_67 = arith.constant 0 : i32
        %dma_start3A_68 = arith.constant 0 : i32
        %dma_start3A_69 = tpu.memref_slice %arg6[%select_n3A_60, %dma_start3A_67, %dma_start3A_68] : memref<2x64x512xf32, #tpu.memory_space<vmem>> -> memref<1x64x512xf32, #tpu.memory_space<vmem>>
        %dma_start3A_70 = tpu.memref_squeeze %dma_start3A_69 : memref<1x64x512xf32, #tpu.memory_space<vmem>> -> memref<64x512xf32, #tpu.memory_space<vmem>>
        %dma_start3A_71 = arith.constant 0 : i32
        %dma_start3A_72 = tpu.memref_slice %arg4[%add3A_65, %dma_start3A_71] : memref<65536x512xf32, #tpu.memory_space<hbm>> -> memref<64x512xf32, #tpu.memory_space<hbm>>
        %dma_start3A_73 = arith.constant 0 : i32
        %dma_start3A_74 = tpu.memref_slice %arg4[%add3A_65, %dma_start3A_73] : memref<65536x512xf32, #tpu.memory_space<hbm>> -> memref<64x512xf32, #tpu.memory_space<hbm>>
        %dma_start3A_75 = arith.constant 0 : i32
        %dma_start3A_76 = arith.constant 0 : i32
        %dma_start3A_77 = tpu.memref_slice %arg6[%select_n3A_60, %dma_start3A_75, %dma_start3A_76] : memref<2x64x512xf32, #tpu.memory_space<vmem>> -> memref<1x64x512xf32, #tpu.memory_space<vmem>>
        %dma_start3A_78 = tpu.memref_squeeze %dma_start3A_77 : memref<1x64x512xf32, #tpu.memory_space<vmem>> -> memref<64x512xf32, #tpu.memory_space<vmem>>
        tpu.enqueue_dma source(%dma_start3A_78 : memref<64x512xf32, #tpu.memory_space<vmem>>) target(%dma_start3A_74 : memref<64x512xf32, #tpu.memory_space<hbm>>) target_semaphore(%run_scoped3A : memref<!tpu.dma_semaphore, #tpu.memory_space<semaphore_mem>>)
        %dma_wait3A_79 = arith.constant 0 : i32
        %dma_wait3A_80 = arith.constant 0 : i32
        %dma_wait3A_81 = tpu.memref_slice %arg6[%select_n3A_60, %dma_wait3A_79, %dma_wait3A_80] : memref<2x64x512xf32, #tpu.memory_space<vmem>> -> memref<1x64x512xf32, #tpu.memory_space<vmem>>
        %dma_wait3A_82 = tpu.memref_squeeze %dma_wait3A_81 : memref<1x64x512xf32, #tpu.memory_space<vmem>> -> memref<64x512xf32, #tpu.memory_space<vmem>>
        %dma_wait3A_83 = arith.constant 0 : i32
        %dma_wait3A_84 = tpu.memref_slice %arg4[%add3A_65, %dma_wait3A_83] : memref<65536x512xf32, #tpu.memory_space<hbm>> -> memref<64x512xf32, #tpu.memory_space<hbm>>
        %dma_wait3A_85 = arith.constant 0 : i32
        %dma_wait3A_86 = tpu.memref_slice %arg4[%add3A_65, %dma_wait3A_85] : memref<65536x512xf32, #tpu.memory_space<hbm>> -> memref<64x512xf32, #tpu.memory_space<hbm>>
        %dma_wait3A_87 = arith.constant 0 : i32
        %dma_wait3A_88 = arith.constant 0 : i32
        %dma_wait3A_89 = tpu.memref_slice %arg6[%select_n3A_60, %dma_wait3A_87, %dma_wait3A_88] : memref<2x64x512xf32, #tpu.memory_space<vmem>> -> memref<1x64x512xf32, #tpu.memory_space<vmem>>
        %dma_wait3A_90 = tpu.memref_squeeze %dma_wait3A_89 : memref<1x64x512xf32, #tpu.memory_space<vmem>> -> memref<64x512xf32, #tpu.memory_space<vmem>>
        tpu.wait_dma2 semaphore(%run_scoped3A : memref<!tpu.dma_semaphore, #tpu.memory_space<semaphore_mem>>) src(%dma_wait3A_90 : memref<64x512xf32, #tpu.memory_space<vmem>>) dst(%dma_wait3A_86 : memref<64x512xf32, #tpu.memory_space<hbm>>)
        tpu.yield
      }) : () -> ()
      %scan3A_66 = arith.constant 0 : i32
      scf.yield %scan3A_66 : i32
    }
    %scan3A_19 = arith.constant 32 : i32
    return
  }
}

module attributes {stable_mosaic.version = 14 : i64} {
  func.func @_fps_body(%arg0: memref<4x5x2048xf32, #tpu.memory_space<vmem>>, %arg1: memref<4x1024xi32, #tpu.memory_space<vmem>>) attributes {dimension_semantics = [], scalar_prefetch = 0 : i64, scratch_operands = 0 : i64, tpu.core_type = #tpu.core_type<tc>} {
    %get3A = arith.constant 0 : index
    %get3A_0 = arith.constant 0 : index
    %get3A_1 = arith.constant 0 : index
    %get3A_2 = vector.load %arg0[%get3A, %get3A_0, %get3A_1] : memref<4x5x2048xf32, #tpu.memory_space<vmem>>, vector<4x5x2048xf32>
    %iota3A = tpu.iota {dimensions = array<i32: 1>} : vector<4x2048xi32>
    %iota3A_3 = tpu.iota {dimensions = array<i32: 1>} : vector<4x1024xi32>
    %eq3A = arith.constant 0 : i32
    %eq3A_4 = vector.broadcast %eq3A : i32 to vector<4x2048xi32>
    %eq3A_5 = arith.cmpi eq, %iota3A, %eq3A_4 : vector<4x2048xi32>
    %convert_element_type3A = arith.extui %eq3A_5 : vector<4x2048xi1> to vector<4x2048xi32>
    %convert_element_type3A_6 = arith.sitofp %convert_element_type3A : vector<4x2048xi32> to vector<4x2048xf32>
    %sub3A = arith.constant 1.000000e+00 : f32
    %sub3A_7 = vector.broadcast %sub3A : f32 to vector<4x2048xf32>
    %sub3A_8 = arith.subf %sub3A_7, %convert_element_type3A_6 : vector<4x2048xf32>
    %broadcast_in_dim3A = arith.constant 0x7F800000 : f32
    %broadcast_in_dim3A_9 = vector.broadcast %broadcast_in_dim3A : f32 to vector<4x2048xf32>
    %broadcast_in_dim3A_10 = arith.constant 0 : i32
    %broadcast_in_dim3A_11 = vector.broadcast %broadcast_in_dim3A_10 : i32 to vector<4x1024xi32>
    %scan3A = arith.constant 1 : i32
    %scan3A_12 = arith.constant 1023 : i32
    %scan3A_13 = arith.addi %scan3A, %scan3A_12 : i32
    %scan3A_14 = arith.constant 3 : i32
    %scan3A_15:4 = scf.for %scan3A_19 = %scan3A to %scan3A_13 step %scan3A_14 iter_args(%scan3A_20 = %broadcast_in_dim3A_9, %scan3A_21 = %sub3A_8, %scan3A_22 = %convert_element_type3A_6, %scan3A_23 = %broadcast_in_dim3A_11) -> (vector<4x2048xf32>, vector<4x2048xf32>, vector<4x2048xf32>, vector<4x1024xi32>)  : i32 {
      %slice3A = vector.extract_strided_slice %get3A_2 {offsets = [0, 0, 0], sizes = [4, 1, 2048], strides = [1, 1, 1]} : vector<4x5x2048xf32> to vector<4x1x2048xf32>
      %squeeze3A = vector.shape_cast %slice3A : vector<4x1x2048xf32> to vector<4x2048xf32>
      %mul3A = arith.mulf %scan3A_22, %squeeze3A : vector<4x2048xf32>
      %reduce_sum3A = arith.constant dense<0.000000e+00> : vector<4xf32>
      %reduce_sum3A_24 = vector.multi_reduction <add>, %mul3A, %reduce_sum3A [1] : vector<4x2048xf32> to vector<4xf32>
      %broadcast_in_dim3A_25 = vector.shape_cast %reduce_sum3A_24 : vector<4xf32> to vector<4x1xf32>
      %sub3A_26 = vector.broadcast %broadcast_in_dim3A_25 : vector<4x1xf32> to vector<4x2048xf32>
      %sub3A_27 = arith.subf %sub3A_26, %squeeze3A : vector<4x2048xf32>
      %mul3A_28 = arith.mulf %sub3A_27, %sub3A_27 : vector<4x2048xf32>
      %slice3A_29 = vector.extract_strided_slice %get3A_2 {offsets = [0, 1, 0], sizes = [4, 1, 2048], strides = [1, 1, 1]} : vector<4x5x2048xf32> to vector<4x1x2048xf32>
      %squeeze3A_30 = vector.shape_cast %slice3A_29 : vector<4x1x2048xf32> to vector<4x2048xf32>
      %mul3A_31 = arith.mulf %scan3A_22, %squeeze3A_30 : vector<4x2048xf32>
      %reduce_sum3A_32 = arith.constant dense<0.000000e+00> : vector<4xf32>
      %reduce_sum3A_33 = vector.multi_reduction <add>, %mul3A_31, %reduce_sum3A_32 [1] : vector<4x2048xf32> to vector<4xf32>
      %broadcast_in_dim3A_34 = vector.shape_cast %reduce_sum3A_33 : vector<4xf32> to vector<4x1xf32>
      %sub3A_35 = vector.broadcast %broadcast_in_dim3A_34 : vector<4x1xf32> to vector<4x2048xf32>
      %sub3A_36 = arith.subf %sub3A_35, %squeeze3A_30 : vector<4x2048xf32>
      %mul3A_37 = arith.mulf %sub3A_36, %sub3A_36 : vector<4x2048xf32>
      %slice3A_38 = vector.extract_strided_slice %get3A_2 {offsets = [0, 2, 0], sizes = [4, 1, 2048], strides = [1, 1, 1]} : vector<4x5x2048xf32> to vector<4x1x2048xf32>
      %squeeze3A_39 = vector.shape_cast %slice3A_38 : vector<4x1x2048xf32> to vector<4x2048xf32>
      %mul3A_40 = arith.mulf %scan3A_22, %squeeze3A_39 : vector<4x2048xf32>
      %reduce_sum3A_41 = arith.constant dense<0.000000e+00> : vector<4xf32>
      %reduce_sum3A_42 = vector.multi_reduction <add>, %mul3A_40, %reduce_sum3A_41 [1] : vector<4x2048xf32> to vector<4xf32>
      %broadcast_in_dim3A_43 = vector.shape_cast %reduce_sum3A_42 : vector<4xf32> to vector<4x1xf32>
      %sub3A_44 = vector.broadcast %broadcast_in_dim3A_43 : vector<4x1xf32> to vector<4x2048xf32>
      %sub3A_45 = arith.subf %sub3A_44, %squeeze3A_39 : vector<4x2048xf32>
      %mul3A_46 = arith.mulf %sub3A_45, %sub3A_45 : vector<4x2048xf32>
      %slice3A_47 = vector.extract_strided_slice %get3A_2 {offsets = [0, 3, 0], sizes = [4, 1, 2048], strides = [1, 1, 1]} : vector<4x5x2048xf32> to vector<4x1x2048xf32>
      %squeeze3A_48 = vector.shape_cast %slice3A_47 : vector<4x1x2048xf32> to vector<4x2048xf32>
      %mul3A_49 = arith.mulf %scan3A_22, %squeeze3A_48 : vector<4x2048xf32>
      %reduce_sum3A_50 = arith.constant dense<0.000000e+00> : vector<4xf32>
      %reduce_sum3A_51 = vector.multi_reduction <add>, %mul3A_49, %reduce_sum3A_50 [1] : vector<4x2048xf32> to vector<4xf32>
      %broadcast_in_dim3A_52 = vector.shape_cast %reduce_sum3A_51 : vector<4xf32> to vector<4x1xf32>
      %sub3A_53 = vector.broadcast %broadcast_in_dim3A_52 : vector<4x1xf32> to vector<4x2048xf32>
      %sub3A_54 = arith.subf %sub3A_53, %squeeze3A_48 : vector<4x2048xf32>
      %mul3A_55 = arith.mulf %sub3A_54, %sub3A_54 : vector<4x2048xf32>
      %slice3A_56 = vector.extract_strided_slice %get3A_2 {offsets = [0, 4, 0], sizes = [4, 1, 2048], strides = [1, 1, 1]} : vector<4x5x2048xf32> to vector<4x1x2048xf32>
      %squeeze3A_57 = vector.shape_cast %slice3A_56 : vector<4x1x2048xf32> to vector<4x2048xf32>
      %mul3A_58 = arith.mulf %scan3A_22, %squeeze3A_57 : vector<4x2048xf32>
      %reduce_sum3A_59 = arith.constant dense<0.000000e+00> : vector<4xf32>
      %reduce_sum3A_60 = vector.multi_reduction <add>, %mul3A_58, %reduce_sum3A_59 [1] : vector<4x2048xf32> to vector<4xf32>
      %broadcast_in_dim3A_61 = vector.shape_cast %reduce_sum3A_60 : vector<4xf32> to vector<4x1xf32>
      %sub3A_62 = vector.broadcast %broadcast_in_dim3A_61 : vector<4x1xf32> to vector<4x2048xf32>
      %sub3A_63 = arith.subf %sub3A_62, %squeeze3A_57 : vector<4x2048xf32>
      %mul3A_64 = arith.mulf %sub3A_63, %sub3A_63 : vector<4x2048xf32>
      %add3A = arith.addf %mul3A_28, %mul3A_64 : vector<4x2048xf32>
      %add3A_65 = arith.addf %add3A, %mul3A_46 : vector<4x2048xf32>
      %add3A_66 = arith.addf %mul3A_37, %mul3A_55 : vector<4x2048xf32>
      %add3A_67 = arith.addf %add3A_65, %add3A_66 : vector<4x2048xf32>
      %gt3A = arith.constant 0.000000e+00 : f32
      %gt3A_68 = vector.broadcast %gt3A : f32 to vector<4x2048xf32>
      %gt3A_69 = arith.cmpf ogt, %scan3A_21, %gt3A_68 : vector<4x2048xf32>
      %min3A = arith.minimumf %add3A_67, %scan3A_20 : vector<4x2048xf32>
      %select_n3A = arith.select %gt3A_69, %min3A, %scan3A_20 : vector<4x2048xi1>, vector<4x2048xf32>
      %gt3A_70 = arith.constant 0.000000e+00 : f32
      %gt3A_71 = vector.broadcast %gt3A_70 : f32 to vector<4x2048xf32>
      %gt3A_72 = arith.cmpf ogt, %scan3A_21, %gt3A_71 : vector<4x2048xf32>
      %jit3A = arith.constant 0xFF800000 : f32
      %broadcast_in_dim3A_73 = vector.broadcast %jit3A : f32 to vector<4x2048xf32>
      %select_n3A_74 = arith.select %gt3A_72, %select_n3A, %broadcast_in_dim3A_73 : vector<4x2048xi1>, vector<4x2048xf32>
      %reduce_max3A = arith.constant dense<0xFF800000> : vector<4xf32>
      %reduce_max3A_75 = vector.multi_reduction <maximumf>, %select_n3A_74, %reduce_max3A [1] : vector<4x2048xf32> to vector<4xf32>
      %broadcast_in_dim3A_76 = vector.shape_cast %reduce_max3A_75 : vector<4xf32> to vector<4x1xf32>
      %eq3A_77 = vector.broadcast %broadcast_in_dim3A_76 : vector<4x1xf32> to vector<4x2048xf32>
      %eq3A_78 = arith.cmpf oeq, %select_n3A_74, %eq3A_77 : vector<4x2048xf32>
      %jit3A_79 = arith.constant 1073741824 : i32
      %broadcast_in_dim3A_80 = vector.broadcast %jit3A_79 : i32 to vector<4x2048xi32>
      %select_n3A_81 = arith.select %eq3A_78, %iota3A, %broadcast_in_dim3A_80 : vector<4x2048xi1>, vector<4x2048xi32>
      %reduce_min3A = arith.constant dense<2147483647> : vector<4xi32>
      %reduce_min3A_82 = vector.multi_reduction <minsi>, %select_n3A_81, %reduce_min3A [1] : vector<4x2048xi32> to vector<4xi32>
      %broadcast_in_dim3A_83 = vector.shape_cast %reduce_min3A_82 : vector<4xi32> to vector<4x1xi32>
      %eq3A_84 = vector.broadcast %scan3A_19 : i32 to vector<4x1024xi32>
      %eq3A_85 = arith.cmpi eq, %iota3A_3, %eq3A_84 : vector<4x1024xi32>
      %broadcast_in_dim3A_86 = vector.shape_cast %broadcast_in_dim3A_83 : vector<4x1xi32> to vector<4x1xi32>
      %broadcast_in_dim3A_87 = vector.broadcast %broadcast_in_dim3A_86 : vector<4x1xi32> to vector<4x1024xi32>
      %select_n3A_88 = arith.select %eq3A_85, %broadcast_in_dim3A_87, %scan3A_23 : vector<4x1024xi1>, vector<4x1024xi32>
      %lt3A = vector.broadcast %broadcast_in_dim3A_83 : vector<4x1xi32> to vector<4x2048xi32>
      %lt3A_89 = arith.cmpi slt, %iota3A, %lt3A : vector<4x2048xi32>
      %jit3A_90 = arith.constant 0.000000e+00 : f32
      %broadcast_in_dim3A_91 = vector.broadcast %jit3A_90 : f32 to vector<4x2048xf32>
      %select_n3A_92 = arith.select %lt3A_89, %scan3A_21, %broadcast_in_dim3A_91 : vector<4x2048xi1>, vector<4x2048xf32>
      %reduce_sum3A_93 = arith.constant dense<0.000000e+00> : vector<4xf32>
      %reduce_sum3A_94 = vector.multi_reduction <add>, %select_n3A_92, %reduce_sum3A_93 [1] : vector<4x2048xf32> to vector<4xf32>
      %broadcast_in_dim3A_95 = vector.shape_cast %reduce_sum3A_94 : vector<4xf32> to vector<4x1xf32>
      %convert_element_type3A_96 = arith.fptosi %broadcast_in_dim3A_95 : vector<4x1xf32> to vector<4x1xi32>
      %eq3A_97 = vector.broadcast %convert_element_type3A_96 : vector<4x1xi32> to vector<4x2048xi32>
      %eq3A_98 = arith.cmpi eq, %iota3A, %eq3A_97 : vector<4x2048xi32>
      %jit3A_99 = arith.constant 0.000000e+00 : f32
      %broadcast_in_dim3A_100 = vector.broadcast %jit3A_99 : f32 to vector<4x2048xf32>
      %select_n3A_101 = arith.select %eq3A_98, %broadcast_in_dim3A_100, %scan3A_21 : vector<4x2048xi1>, vector<4x2048xf32>
      %eq3A_102 = vector.broadcast %broadcast_in_dim3A_83 : vector<4x1xi32> to vector<4x2048xi32>
      %eq3A_103 = arith.cmpi eq, %iota3A, %eq3A_102 : vector<4x2048xi32>
      %convert_element_type3A_104 = arith.extui %eq3A_103 : vector<4x2048xi1> to vector<4x2048xi32>
      %convert_element_type3A_105 = arith.sitofp %convert_element_type3A_104 : vector<4x2048xi32> to vector<4x2048xf32>
      %scan3A_106 = arith.constant 1 : i32
      %scan3A_107 = arith.addi %scan3A_19, %scan3A_106 : i32
      %slice3A_108 = vector.extract_strided_slice %get3A_2 {offsets = [0, 0, 0], sizes = [4, 1, 2048], strides = [1, 1, 1]} : vector<4x5x2048xf32> to vector<4x1x2048xf32>
      %squeeze3A_109 = vector.shape_cast %slice3A_108 : vector<4x1x2048xf32> to vector<4x2048xf32>
      %mul3A_110 = arith.mulf %convert_element_type3A_105, %squeeze3A_109 : vector<4x2048xf32>
      %reduce_sum3A_111 = arith.constant dense<0.000000e+00> : vector<4xf32>
      %reduce_sum3A_112 = vector.multi_reduction <add>, %mul3A_110, %reduce_sum3A_111 [1] : vector<4x2048xf32> to vector<4xf32>
      %broadcast_in_dim3A_113 = vector.shape_cast %reduce_sum3A_112 : vector<4xf32> to vector<4x1xf32>
      %sub3A_114 = vector.broadcast %broadcast_in_dim3A_113 : vector<4x1xf32> to vector<4x2048xf32>
      %sub3A_115 = arith.subf %sub3A_114, %squeeze3A_109 : vector<4x2048xf32>
      %mul3A_116 = arith.mulf %sub3A_115, %sub3A_115 : vector<4x2048xf32>
      %slice3A_117 = vector.extract_strided_slice %get3A_2 {offsets = [0, 1, 0], sizes = [4, 1, 2048], strides = [1, 1, 1]} : vector<4x5x2048xf32> to vector<4x1x2048xf32>
      %squeeze3A_118 = vector.shape_cast %slice3A_117 : vector<4x1x2048xf32> to vector<4x2048xf32>
      %mul3A_119 = arith.mulf %convert_element_type3A_105, %squeeze3A_118 : vector<4x2048xf32>
      %reduce_sum3A_120 = arith.constant dense<0.000000e+00> : vector<4xf32>
      %reduce_sum3A_121 = vector.multi_reduction <add>, %mul3A_119, %reduce_sum3A_120 [1] : vector<4x2048xf32> to vector<4xf32>
      %broadcast_in_dim3A_122 = vector.shape_cast %reduce_sum3A_121 : vector<4xf32> to vector<4x1xf32>
      %sub3A_123 = vector.broadcast %broadcast_in_dim3A_122 : vector<4x1xf32> to vector<4x2048xf32>
      %sub3A_124 = arith.subf %sub3A_123, %squeeze3A_118 : vector<4x2048xf32>
      %mul3A_125 = arith.mulf %sub3A_124, %sub3A_124 : vector<4x2048xf32>
      %slice3A_126 = vector.extract_strided_slice %get3A_2 {offsets = [0, 2, 0], sizes = [4, 1, 2048], strides = [1, 1, 1]} : vector<4x5x2048xf32> to vector<4x1x2048xf32>
      %squeeze3A_127 = vector.shape_cast %slice3A_126 : vector<4x1x2048xf32> to vector<4x2048xf32>
      %mul3A_128 = arith.mulf %convert_element_type3A_105, %squeeze3A_127 : vector<4x2048xf32>
      %reduce_sum3A_129 = arith.constant dense<0.000000e+00> : vector<4xf32>
      %reduce_sum3A_130 = vector.multi_reduction <add>, %mul3A_128, %reduce_sum3A_129 [1] : vector<4x2048xf32> to vector<4xf32>
      %broadcast_in_dim3A_131 = vector.shape_cast %reduce_sum3A_130 : vector<4xf32> to vector<4x1xf32>
      %sub3A_132 = vector.broadcast %broadcast_in_dim3A_131 : vector<4x1xf32> to vector<4x2048xf32>
      %sub3A_133 = arith.subf %sub3A_132, %squeeze3A_127 : vector<4x2048xf32>
      %mul3A_134 = arith.mulf %sub3A_133, %sub3A_133 : vector<4x2048xf32>
      %slice3A_135 = vector.extract_strided_slice %get3A_2 {offsets = [0, 3, 0], sizes = [4, 1, 2048], strides = [1, 1, 1]} : vector<4x5x2048xf32> to vector<4x1x2048xf32>
      %squeeze3A_136 = vector.shape_cast %slice3A_135 : vector<4x1x2048xf32> to vector<4x2048xf32>
      %mul3A_137 = arith.mulf %convert_element_type3A_105, %squeeze3A_136 : vector<4x2048xf32>
      %reduce_sum3A_138 = arith.constant dense<0.000000e+00> : vector<4xf32>
      %reduce_sum3A_139 = vector.multi_reduction <add>, %mul3A_137, %reduce_sum3A_138 [1] : vector<4x2048xf32> to vector<4xf32>
      %broadcast_in_dim3A_140 = vector.shape_cast %reduce_sum3A_139 : vector<4xf32> to vector<4x1xf32>
      %sub3A_141 = vector.broadcast %broadcast_in_dim3A_140 : vector<4x1xf32> to vector<4x2048xf32>
      %sub3A_142 = arith.subf %sub3A_141, %squeeze3A_136 : vector<4x2048xf32>
      %mul3A_143 = arith.mulf %sub3A_142, %sub3A_142 : vector<4x2048xf32>
      %slice3A_144 = vector.extract_strided_slice %get3A_2 {offsets = [0, 4, 0], sizes = [4, 1, 2048], strides = [1, 1, 1]} : vector<4x5x2048xf32> to vector<4x1x2048xf32>
      %squeeze3A_145 = vector.shape_cast %slice3A_144 : vector<4x1x2048xf32> to vector<4x2048xf32>
      %mul3A_146 = arith.mulf %convert_element_type3A_105, %squeeze3A_145 : vector<4x2048xf32>
      %reduce_sum3A_147 = arith.constant dense<0.000000e+00> : vector<4xf32>
      %reduce_sum3A_148 = vector.multi_reduction <add>, %mul3A_146, %reduce_sum3A_147 [1] : vector<4x2048xf32> to vector<4xf32>
      %broadcast_in_dim3A_149 = vector.shape_cast %reduce_sum3A_148 : vector<4xf32> to vector<4x1xf32>
      %sub3A_150 = vector.broadcast %broadcast_in_dim3A_149 : vector<4x1xf32> to vector<4x2048xf32>
      %sub3A_151 = arith.subf %sub3A_150, %squeeze3A_145 : vector<4x2048xf32>
      %mul3A_152 = arith.mulf %sub3A_151, %sub3A_151 : vector<4x2048xf32>
      %add3A_153 = arith.addf %mul3A_116, %mul3A_152 : vector<4x2048xf32>
      %add3A_154 = arith.addf %add3A_153, %mul3A_134 : vector<4x2048xf32>
      %add3A_155 = arith.addf %mul3A_125, %mul3A_143 : vector<4x2048xf32>
      %add3A_156 = arith.addf %add3A_154, %add3A_155 : vector<4x2048xf32>
      %gt3A_157 = arith.constant 0.000000e+00 : f32
      %gt3A_158 = vector.broadcast %gt3A_157 : f32 to vector<4x2048xf32>
      %gt3A_159 = arith.cmpf ogt, %select_n3A_101, %gt3A_158 : vector<4x2048xf32>
      %min3A_160 = arith.minimumf %add3A_156, %select_n3A : vector<4x2048xf32>
      %select_n3A_161 = arith.select %gt3A_159, %min3A_160, %select_n3A : vector<4x2048xi1>, vector<4x2048xf32>
      %gt3A_162 = arith.constant 0.000000e+00 : f32
      %gt3A_163 = vector.broadcast %gt3A_162 : f32 to vector<4x2048xf32>
      %gt3A_164 = arith.cmpf ogt, %select_n3A_101, %gt3A_163 : vector<4x2048xf32>
      %jit3A_165 = arith.constant 0xFF800000 : f32
      %broadcast_in_dim3A_166 = vector.broadcast %jit3A_165 : f32 to vector<4x2048xf32>
      %select_n3A_167 = arith.select %gt3A_164, %select_n3A_161, %broadcast_in_dim3A_166 : vector<4x2048xi1>, vector<4x2048xf32>
      %reduce_max3A_168 = arith.constant dense<0xFF800000> : vector<4xf32>
      %reduce_max3A_169 = vector.multi_reduction <maximumf>, %select_n3A_167, %reduce_max3A_168 [1] : vector<4x2048xf32> to vector<4xf32>
      %broadcast_in_dim3A_170 = vector.shape_cast %reduce_max3A_169 : vector<4xf32> to vector<4x1xf32>
      %eq3A_171 = vector.broadcast %broadcast_in_dim3A_170 : vector<4x1xf32> to vector<4x2048xf32>
      %eq3A_172 = arith.cmpf oeq, %select_n3A_167, %eq3A_171 : vector<4x2048xf32>
      %jit3A_173 = arith.constant 1073741824 : i32
      %broadcast_in_dim3A_174 = vector.broadcast %jit3A_173 : i32 to vector<4x2048xi32>
      %select_n3A_175 = arith.select %eq3A_172, %iota3A, %broadcast_in_dim3A_174 : vector<4x2048xi1>, vector<4x2048xi32>
      %reduce_min3A_176 = arith.constant dense<2147483647> : vector<4xi32>
      %reduce_min3A_177 = vector.multi_reduction <minsi>, %select_n3A_175, %reduce_min3A_176 [1] : vector<4x2048xi32> to vector<4xi32>
      %broadcast_in_dim3A_178 = vector.shape_cast %reduce_min3A_177 : vector<4xi32> to vector<4x1xi32>
      %eq3A_179 = vector.broadcast %scan3A_107 : i32 to vector<4x1024xi32>
      %eq3A_180 = arith.cmpi eq, %iota3A_3, %eq3A_179 : vector<4x1024xi32>
      %broadcast_in_dim3A_181 = vector.shape_cast %broadcast_in_dim3A_178 : vector<4x1xi32> to vector<4x1xi32>
      %broadcast_in_dim3A_182 = vector.broadcast %broadcast_in_dim3A_181 : vector<4x1xi32> to vector<4x1024xi32>
      %select_n3A_183 = arith.select %eq3A_180, %broadcast_in_dim3A_182, %select_n3A_88 : vector<4x1024xi1>, vector<4x1024xi32>
      %lt3A_184 = vector.broadcast %broadcast_in_dim3A_178 : vector<4x1xi32> to vector<4x2048xi32>
      %lt3A_185 = arith.cmpi slt, %iota3A, %lt3A_184 : vector<4x2048xi32>
      %jit3A_186 = arith.constant 0.000000e+00 : f32
      %broadcast_in_dim3A_187 = vector.broadcast %jit3A_186 : f32 to vector<4x2048xf32>
      %select_n3A_188 = arith.select %lt3A_185, %select_n3A_101, %broadcast_in_dim3A_187 : vector<4x2048xi1>, vector<4x2048xf32>
      %reduce_sum3A_189 = arith.constant dense<0.000000e+00> : vector<4xf32>
      %reduce_sum3A_190 = vector.multi_reduction <add>, %select_n3A_188, %reduce_sum3A_189 [1] : vector<4x2048xf32> to vector<4xf32>
      %broadcast_in_dim3A_191 = vector.shape_cast %reduce_sum3A_190 : vector<4xf32> to vector<4x1xf32>
      %convert_element_type3A_192 = arith.fptosi %broadcast_in_dim3A_191 : vector<4x1xf32> to vector<4x1xi32>
      %eq3A_193 = vector.broadcast %convert_element_type3A_192 : vector<4x1xi32> to vector<4x2048xi32>
      %eq3A_194 = arith.cmpi eq, %iota3A, %eq3A_193 : vector<4x2048xi32>
      %jit3A_195 = arith.constant 0.000000e+00 : f32
      %broadcast_in_dim3A_196 = vector.broadcast %jit3A_195 : f32 to vector<4x2048xf32>
      %select_n3A_197 = arith.select %eq3A_194, %broadcast_in_dim3A_196, %select_n3A_101 : vector<4x2048xi1>, vector<4x2048xf32>
      %eq3A_198 = vector.broadcast %broadcast_in_dim3A_178 : vector<4x1xi32> to vector<4x2048xi32>
      %eq3A_199 = arith.cmpi eq, %iota3A, %eq3A_198 : vector<4x2048xi32>
      %convert_element_type3A_200 = arith.extui %eq3A_199 : vector<4x2048xi1> to vector<4x2048xi32>
      %convert_element_type3A_201 = arith.sitofp %convert_element_type3A_200 : vector<4x2048xi32> to vector<4x2048xf32>
      %scan3A_202 = arith.constant 2 : i32
      %scan3A_203 = arith.addi %scan3A_19, %scan3A_202 : i32
      %slice3A_204 = vector.extract_strided_slice %get3A_2 {offsets = [0, 0, 0], sizes = [4, 1, 2048], strides = [1, 1, 1]} : vector<4x5x2048xf32> to vector<4x1x2048xf32>
      %squeeze3A_205 = vector.shape_cast %slice3A_204 : vector<4x1x2048xf32> to vector<4x2048xf32>
      %mul3A_206 = arith.mulf %convert_element_type3A_201, %squeeze3A_205 : vector<4x2048xf32>
      %reduce_sum3A_207 = arith.constant dense<0.000000e+00> : vector<4xf32>
      %reduce_sum3A_208 = vector.multi_reduction <add>, %mul3A_206, %reduce_sum3A_207 [1] : vector<4x2048xf32> to vector<4xf32>
      %broadcast_in_dim3A_209 = vector.shape_cast %reduce_sum3A_208 : vector<4xf32> to vector<4x1xf32>
      %sub3A_210 = vector.broadcast %broadcast_in_dim3A_209 : vector<4x1xf32> to vector<4x2048xf32>
      %sub3A_211 = arith.subf %sub3A_210, %squeeze3A_205 : vector<4x2048xf32>
      %mul3A_212 = arith.mulf %sub3A_211, %sub3A_211 : vector<4x2048xf32>
      %slice3A_213 = vector.extract_strided_slice %get3A_2 {offsets = [0, 1, 0], sizes = [4, 1, 2048], strides = [1, 1, 1]} : vector<4x5x2048xf32> to vector<4x1x2048xf32>
      %squeeze3A_214 = vector.shape_cast %slice3A_213 : vector<4x1x2048xf32> to vector<4x2048xf32>
      %mul3A_215 = arith.mulf %convert_element_type3A_201, %squeeze3A_214 : vector<4x2048xf32>
      %reduce_sum3A_216 = arith.constant dense<0.000000e+00> : vector<4xf32>
      %reduce_sum3A_217 = vector.multi_reduction <add>, %mul3A_215, %reduce_sum3A_216 [1] : vector<4x2048xf32> to vector<4xf32>
      %broadcast_in_dim3A_218 = vector.shape_cast %reduce_sum3A_217 : vector<4xf32> to vector<4x1xf32>
      %sub3A_219 = vector.broadcast %broadcast_in_dim3A_218 : vector<4x1xf32> to vector<4x2048xf32>
      %sub3A_220 = arith.subf %sub3A_219, %squeeze3A_214 : vector<4x2048xf32>
      %mul3A_221 = arith.mulf %sub3A_220, %sub3A_220 : vector<4x2048xf32>
      %slice3A_222 = vector.extract_strided_slice %get3A_2 {offsets = [0, 2, 0], sizes = [4, 1, 2048], strides = [1, 1, 1]} : vector<4x5x2048xf32> to vector<4x1x2048xf32>
      %squeeze3A_223 = vector.shape_cast %slice3A_222 : vector<4x1x2048xf32> to vector<4x2048xf32>
      %mul3A_224 = arith.mulf %convert_element_type3A_201, %squeeze3A_223 : vector<4x2048xf32>
      %reduce_sum3A_225 = arith.constant dense<0.000000e+00> : vector<4xf32>
      %reduce_sum3A_226 = vector.multi_reduction <add>, %mul3A_224, %reduce_sum3A_225 [1] : vector<4x2048xf32> to vector<4xf32>
      %broadcast_in_dim3A_227 = vector.shape_cast %reduce_sum3A_226 : vector<4xf32> to vector<4x1xf32>
      %sub3A_228 = vector.broadcast %broadcast_in_dim3A_227 : vector<4x1xf32> to vector<4x2048xf32>
      %sub3A_229 = arith.subf %sub3A_228, %squeeze3A_223 : vector<4x2048xf32>
      %mul3A_230 = arith.mulf %sub3A_229, %sub3A_229 : vector<4x2048xf32>
      %slice3A_231 = vector.extract_strided_slice %get3A_2 {offsets = [0, 3, 0], sizes = [4, 1, 2048], strides = [1, 1, 1]} : vector<4x5x2048xf32> to vector<4x1x2048xf32>
      %squeeze3A_232 = vector.shape_cast %slice3A_231 : vector<4x1x2048xf32> to vector<4x2048xf32>
      %mul3A_233 = arith.mulf %convert_element_type3A_201, %squeeze3A_232 : vector<4x2048xf32>
      %reduce_sum3A_234 = arith.constant dense<0.000000e+00> : vector<4xf32>
      %reduce_sum3A_235 = vector.multi_reduction <add>, %mul3A_233, %reduce_sum3A_234 [1] : vector<4x2048xf32> to vector<4xf32>
      %broadcast_in_dim3A_236 = vector.shape_cast %reduce_sum3A_235 : vector<4xf32> to vector<4x1xf32>
      %sub3A_237 = vector.broadcast %broadcast_in_dim3A_236 : vector<4x1xf32> to vector<4x2048xf32>
      %sub3A_238 = arith.subf %sub3A_237, %squeeze3A_232 : vector<4x2048xf32>
      %mul3A_239 = arith.mulf %sub3A_238, %sub3A_238 : vector<4x2048xf32>
      %slice3A_240 = vector.extract_strided_slice %get3A_2 {offsets = [0, 4, 0], sizes = [4, 1, 2048], strides = [1, 1, 1]} : vector<4x5x2048xf32> to vector<4x1x2048xf32>
      %squeeze3A_241 = vector.shape_cast %slice3A_240 : vector<4x1x2048xf32> to vector<4x2048xf32>
      %mul3A_242 = arith.mulf %convert_element_type3A_201, %squeeze3A_241 : vector<4x2048xf32>
      %reduce_sum3A_243 = arith.constant dense<0.000000e+00> : vector<4xf32>
      %reduce_sum3A_244 = vector.multi_reduction <add>, %mul3A_242, %reduce_sum3A_243 [1] : vector<4x2048xf32> to vector<4xf32>
      %broadcast_in_dim3A_245 = vector.shape_cast %reduce_sum3A_244 : vector<4xf32> to vector<4x1xf32>
      %sub3A_246 = vector.broadcast %broadcast_in_dim3A_245 : vector<4x1xf32> to vector<4x2048xf32>
      %sub3A_247 = arith.subf %sub3A_246, %squeeze3A_241 : vector<4x2048xf32>
      %mul3A_248 = arith.mulf %sub3A_247, %sub3A_247 : vector<4x2048xf32>
      %add3A_249 = arith.addf %mul3A_212, %mul3A_248 : vector<4x2048xf32>
      %add3A_250 = arith.addf %add3A_249, %mul3A_230 : vector<4x2048xf32>
      %add3A_251 = arith.addf %mul3A_221, %mul3A_239 : vector<4x2048xf32>
      %add3A_252 = arith.addf %add3A_250, %add3A_251 : vector<4x2048xf32>
      %gt3A_253 = arith.constant 0.000000e+00 : f32
      %gt3A_254 = vector.broadcast %gt3A_253 : f32 to vector<4x2048xf32>
      %gt3A_255 = arith.cmpf ogt, %select_n3A_197, %gt3A_254 : vector<4x2048xf32>
      %min3A_256 = arith.minimumf %add3A_252, %select_n3A_161 : vector<4x2048xf32>
      %select_n3A_257 = arith.select %gt3A_255, %min3A_256, %select_n3A_161 : vector<4x2048xi1>, vector<4x2048xf32>
      %gt3A_258 = arith.constant 0.000000e+00 : f32
      %gt3A_259 = vector.broadcast %gt3A_258 : f32 to vector<4x2048xf32>
      %gt3A_260 = arith.cmpf ogt, %select_n3A_197, %gt3A_259 : vector<4x2048xf32>
      %jit3A_261 = arith.constant 0xFF800000 : f32
      %broadcast_in_dim3A_262 = vector.broadcast %jit3A_261 : f32 to vector<4x2048xf32>
      %select_n3A_263 = arith.select %gt3A_260, %select_n3A_257, %broadcast_in_dim3A_262 : vector<4x2048xi1>, vector<4x2048xf32>
      %reduce_max3A_264 = arith.constant dense<0xFF800000> : vector<4xf32>
      %reduce_max3A_265 = vector.multi_reduction <maximumf>, %select_n3A_263, %reduce_max3A_264 [1] : vector<4x2048xf32> to vector<4xf32>
      %broadcast_in_dim3A_266 = vector.shape_cast %reduce_max3A_265 : vector<4xf32> to vector<4x1xf32>
      %eq3A_267 = vector.broadcast %broadcast_in_dim3A_266 : vector<4x1xf32> to vector<4x2048xf32>
      %eq3A_268 = arith.cmpf oeq, %select_n3A_263, %eq3A_267 : vector<4x2048xf32>
      %jit3A_269 = arith.constant 1073741824 : i32
      %broadcast_in_dim3A_270 = vector.broadcast %jit3A_269 : i32 to vector<4x2048xi32>
      %select_n3A_271 = arith.select %eq3A_268, %iota3A, %broadcast_in_dim3A_270 : vector<4x2048xi1>, vector<4x2048xi32>
      %reduce_min3A_272 = arith.constant dense<2147483647> : vector<4xi32>
      %reduce_min3A_273 = vector.multi_reduction <minsi>, %select_n3A_271, %reduce_min3A_272 [1] : vector<4x2048xi32> to vector<4xi32>
      %broadcast_in_dim3A_274 = vector.shape_cast %reduce_min3A_273 : vector<4xi32> to vector<4x1xi32>
      %eq3A_275 = vector.broadcast %scan3A_203 : i32 to vector<4x1024xi32>
      %eq3A_276 = arith.cmpi eq, %iota3A_3, %eq3A_275 : vector<4x1024xi32>
      %broadcast_in_dim3A_277 = vector.shape_cast %broadcast_in_dim3A_274 : vector<4x1xi32> to vector<4x1xi32>
      %broadcast_in_dim3A_278 = vector.broadcast %broadcast_in_dim3A_277 : vector<4x1xi32> to vector<4x1024xi32>
      %select_n3A_279 = arith.select %eq3A_276, %broadcast_in_dim3A_278, %select_n3A_183 : vector<4x1024xi1>, vector<4x1024xi32>
      %lt3A_280 = vector.broadcast %broadcast_in_dim3A_274 : vector<4x1xi32> to vector<4x2048xi32>
      %lt3A_281 = arith.cmpi slt, %iota3A, %lt3A_280 : vector<4x2048xi32>
      %jit3A_282 = arith.constant 0.000000e+00 : f32
      %broadcast_in_dim3A_283 = vector.broadcast %jit3A_282 : f32 to vector<4x2048xf32>
      %select_n3A_284 = arith.select %lt3A_281, %select_n3A_197, %broadcast_in_dim3A_283 : vector<4x2048xi1>, vector<4x2048xf32>
      %reduce_sum3A_285 = arith.constant dense<0.000000e+00> : vector<4xf32>
      %reduce_sum3A_286 = vector.multi_reduction <add>, %select_n3A_284, %reduce_sum3A_285 [1] : vector<4x2048xf32> to vector<4xf32>
      %broadcast_in_dim3A_287 = vector.shape_cast %reduce_sum3A_286 : vector<4xf32> to vector<4x1xf32>
      %convert_element_type3A_288 = arith.fptosi %broadcast_in_dim3A_287 : vector<4x1xf32> to vector<4x1xi32>
      %eq3A_289 = vector.broadcast %convert_element_type3A_288 : vector<4x1xi32> to vector<4x2048xi32>
      %eq3A_290 = arith.cmpi eq, %iota3A, %eq3A_289 : vector<4x2048xi32>
      %jit3A_291 = arith.constant 0.000000e+00 : f32
      %broadcast_in_dim3A_292 = vector.broadcast %jit3A_291 : f32 to vector<4x2048xf32>
      %select_n3A_293 = arith.select %eq3A_290, %broadcast_in_dim3A_292, %select_n3A_197 : vector<4x2048xi1>, vector<4x2048xf32>
      %eq3A_294 = vector.broadcast %broadcast_in_dim3A_274 : vector<4x1xi32> to vector<4x2048xi32>
      %eq3A_295 = arith.cmpi eq, %iota3A, %eq3A_294 : vector<4x2048xi32>
      %convert_element_type3A_296 = arith.extui %eq3A_295 : vector<4x2048xi1> to vector<4x2048xi32>
      %convert_element_type3A_297 = arith.sitofp %convert_element_type3A_296 : vector<4x2048xi32> to vector<4x2048xf32>
      scf.yield %select_n3A_257, %select_n3A_293, %convert_element_type3A_297, %select_n3A_279 : vector<4x2048xf32>, vector<4x2048xf32>, vector<4x2048xf32>, vector<4x1024xi32>
    }
    %scan3A_16 = arith.constant 1023 : i32
    %swap3A = arith.constant 0 : index
    %swap3A_17 = arith.constant 0 : index
    %swap3A_18 = vector.load %arg1[%swap3A, %swap3A_17] : memref<4x1024xi32, #tpu.memory_space<vmem>>, vector<4x1024xi32>
    tpu.vector_store %arg1[%swap3A, %swap3A_17], %scan3A_15#3 {strides = array<i32>} : memref<4x1024xi32, #tpu.memory_space<vmem>>, vector<4x1024xi32>,
    return
  }
}

module attributes {stable_mosaic.version = 14 : i64} {
  func.func @_knn_body(%arg0: i32, %arg1: i32, %arg2: memref<1x5x2048xf32, #tpu.memory_space<vmem>>, %arg3: memref<1x256x1xi32, #tpu.memory_space<vmem>>, %arg4: memref<1x256x16xi32, #tpu.memory_space<vmem>>, %arg5: memref<1x256x5xf32, #tpu.memory_space<vmem>>) attributes {dimension_semantics = [#tpu.dimension_semantics<arbitrary>, #tpu.dimension_semantics<arbitrary>], iteration_bounds = array<i64: 4, 4>, scalar_prefetch = 0 : i64, scratch_operands = 0 : i64, tpu.core_type = #tpu.core_type<tc>, window_params = [{transform_indices = @transform_0, window_bounds = array<i64: 1, 5, 2048>}, {transform_indices = @transform_1, window_bounds = array<i64: 1, 256, 1>}, {transform_indices = @transform_2, window_bounds = array<i64: 1, 256, 16>}, {transform_indices = @transform_3, window_bounds = array<i64: 1, 256, 5>}]} {
    %get3A = arith.constant 0 : index
    %get3A_0 = arith.constant 0 : index
    %get3A_1 = arith.constant 0 : index
    %get3A_2 = vector.load %arg2[%get3A, %get3A_0, %get3A_1] : memref<1x5x2048xf32, #tpu.memory_space<vmem>>, vector<1x5x2048xf32>
    %get3A_3 = vector.shape_cast %get3A_2 : vector<1x5x2048xf32> to vector<5x2048xf32>
    %get3A_4 = arith.constant 0 : index
    %get3A_5 = arith.constant 0 : index
    %get3A_6 = arith.constant 0 : index
    %get3A_7 = vector.load %arg3[%get3A_4, %get3A_5, %get3A_6] : memref<1x256x1xi32, #tpu.memory_space<vmem>>, vector<1x256x1xi32>
    %get3A_8 = vector.shape_cast %get3A_7 : vector<1x256x1xi32> to vector<256x1xi32>
    %iota3A = tpu.iota {dimensions = array<i32: 1>} : vector<256x2048xi32>
    %eq3A = vector.broadcast %get3A_8 : vector<256x1xi32> to vector<256x2048xi32>
    %eq3A_9 = arith.cmpi eq, %iota3A, %eq3A : vector<256x2048xi32>
    %convert_element_type3A = arith.extui %eq3A_9 : vector<256x2048xi1> to vector<256x2048xi32>
    %convert_element_type3A_10 = arith.sitofp %convert_element_type3A : vector<256x2048xi32> to vector<256x2048xf32>
    %slice3A = vector.extract_strided_slice %get3A_3 {offsets = [0, 0], sizes = [1, 2048], strides = [1, 1]} : vector<5x2048xf32> to vector<1x2048xf32>
    %mul3A = vector.broadcast %slice3A : vector<1x2048xf32> to vector<256x2048xf32>
    %mul3A_11 = arith.mulf %convert_element_type3A_10, %mul3A : vector<256x2048xf32>
    %reduce_sum3A = arith.constant dense<0.000000e+00> : vector<256xf32>
    %reduce_sum3A_12 = vector.multi_reduction <add>, %mul3A_11, %reduce_sum3A [1] : vector<256x2048xf32> to vector<256xf32>
    %broadcast_in_dim3A = vector.shape_cast %reduce_sum3A_12 : vector<256xf32> to vector<256x1xf32>
    %sub3A = vector.broadcast %broadcast_in_dim3A : vector<256x1xf32> to vector<256x2048xf32>
    %sub3A_13 = vector.broadcast %slice3A : vector<1x2048xf32> to vector<256x2048xf32>
    %sub3A_14 = arith.subf %sub3A, %sub3A_13 : vector<256x2048xf32>
    %mul3A_15 = arith.mulf %sub3A_14, %sub3A_14 : vector<256x2048xf32>
    %slice3A_16 = vector.extract_strided_slice %get3A_3 {offsets = [1, 0], sizes = [1, 2048], strides = [1, 1]} : vector<5x2048xf32> to vector<1x2048xf32>
    %mul3A_17 = vector.broadcast %slice3A_16 : vector<1x2048xf32> to vector<256x2048xf32>
    %mul3A_18 = arith.mulf %convert_element_type3A_10, %mul3A_17 : vector<256x2048xf32>
    %reduce_sum3A_19 = arith.constant dense<0.000000e+00> : vector<256xf32>
    %reduce_sum3A_20 = vector.multi_reduction <add>, %mul3A_18, %reduce_sum3A_19 [1] : vector<256x2048xf32> to vector<256xf32>
    %broadcast_in_dim3A_21 = vector.shape_cast %reduce_sum3A_20 : vector<256xf32> to vector<256x1xf32>
    %sub3A_22 = vector.broadcast %broadcast_in_dim3A_21 : vector<256x1xf32> to vector<256x2048xf32>
    %sub3A_23 = vector.broadcast %slice3A_16 : vector<1x2048xf32> to vector<256x2048xf32>
    %sub3A_24 = arith.subf %sub3A_22, %sub3A_23 : vector<256x2048xf32>
    %mul3A_25 = arith.mulf %sub3A_24, %sub3A_24 : vector<256x2048xf32>
    %slice3A_26 = vector.extract_strided_slice %get3A_3 {offsets = [2, 0], sizes = [1, 2048], strides = [1, 1]} : vector<5x2048xf32> to vector<1x2048xf32>
    %mul3A_27 = vector.broadcast %slice3A_26 : vector<1x2048xf32> to vector<256x2048xf32>
    %mul3A_28 = arith.mulf %convert_element_type3A_10, %mul3A_27 : vector<256x2048xf32>
    %reduce_sum3A_29 = arith.constant dense<0.000000e+00> : vector<256xf32>
    %reduce_sum3A_30 = vector.multi_reduction <add>, %mul3A_28, %reduce_sum3A_29 [1] : vector<256x2048xf32> to vector<256xf32>
    %broadcast_in_dim3A_31 = vector.shape_cast %reduce_sum3A_30 : vector<256xf32> to vector<256x1xf32>
    %sub3A_32 = vector.broadcast %broadcast_in_dim3A_31 : vector<256x1xf32> to vector<256x2048xf32>
    %sub3A_33 = vector.broadcast %slice3A_26 : vector<1x2048xf32> to vector<256x2048xf32>
    %sub3A_34 = arith.subf %sub3A_32, %sub3A_33 : vector<256x2048xf32>
    %mul3A_35 = arith.mulf %sub3A_34, %sub3A_34 : vector<256x2048xf32>
    %slice3A_36 = vector.extract_strided_slice %get3A_3 {offsets = [3, 0], sizes = [1, 2048], strides = [1, 1]} : vector<5x2048xf32> to vector<1x2048xf32>
    %mul3A_37 = vector.broadcast %slice3A_36 : vector<1x2048xf32> to vector<256x2048xf32>
    %mul3A_38 = arith.mulf %convert_element_type3A_10, %mul3A_37 : vector<256x2048xf32>
    %reduce_sum3A_39 = arith.constant dense<0.000000e+00> : vector<256xf32>
    %reduce_sum3A_40 = vector.multi_reduction <add>, %mul3A_38, %reduce_sum3A_39 [1] : vector<256x2048xf32> to vector<256xf32>
    %broadcast_in_dim3A_41 = vector.shape_cast %reduce_sum3A_40 : vector<256xf32> to vector<256x1xf32>
    %sub3A_42 = vector.broadcast %broadcast_in_dim3A_41 : vector<256x1xf32> to vector<256x2048xf32>
    %sub3A_43 = vector.broadcast %slice3A_36 : vector<1x2048xf32> to vector<256x2048xf32>
    %sub3A_44 = arith.subf %sub3A_42, %sub3A_43 : vector<256x2048xf32>
    %mul3A_45 = arith.mulf %sub3A_44, %sub3A_44 : vector<256x2048xf32>
    %slice3A_46 = vector.extract_strided_slice %get3A_3 {offsets = [4, 0], sizes = [1, 2048], strides = [1, 1]} : vector<5x2048xf32> to vector<1x2048xf32>
    %mul3A_47 = vector.broadcast %slice3A_46 : vector<1x2048xf32> to vector<256x2048xf32>
    %mul3A_48 = arith.mulf %convert_element_type3A_10, %mul3A_47 : vector<256x2048xf32>
    %reduce_sum3A_49 = arith.constant dense<0.000000e+00> : vector<256xf32>
    %reduce_sum3A_50 = vector.multi_reduction <add>, %mul3A_48, %reduce_sum3A_49 [1] : vector<256x2048xf32> to vector<256xf32>
    %broadcast_in_dim3A_51 = vector.shape_cast %reduce_sum3A_50 : vector<256xf32> to vector<256x1xf32>
    %sub3A_52 = vector.broadcast %broadcast_in_dim3A_51 : vector<256x1xf32> to vector<256x2048xf32>
    %sub3A_53 = vector.broadcast %slice3A_46 : vector<1x2048xf32> to vector<256x2048xf32>
    %sub3A_54 = arith.subf %sub3A_52, %sub3A_53 : vector<256x2048xf32>
    %mul3A_55 = arith.mulf %sub3A_54, %sub3A_54 : vector<256x2048xf32>
    %concatenate3A = tpu.concatenate %broadcast_in_dim3A, %broadcast_in_dim3A_21, %broadcast_in_dim3A_31, %broadcast_in_dim3A_41, %broadcast_in_dim3A_51 in 1 : vector<256x1xf32>, vector<256x1xf32>, vector<256x1xf32>, vector<256x1xf32>, vector<256x1xf32> -> vector<256x5xf32>
    %swap3A = arith.constant 0 : index
    %swap3A_56 = arith.constant 0 : index
    %swap3A_57 = arith.constant 0 : index
    %swap3A_58 = vector.load %arg5[%swap3A, %swap3A_56, %swap3A_57] : memref<1x256x5xf32, #tpu.memory_space<vmem>>, vector<1x256x5xf32>
    %swap3A_59 = vector.shape_cast %swap3A_58 : vector<1x256x5xf32> to vector<256x5xf32>
    %swap3A_60 = vector.shape_cast %concatenate3A : vector<256x5xf32> to vector<1x256x5xf32>
    tpu.vector_store %arg5[%swap3A, %swap3A_56, %swap3A_57], %swap3A_60 {strides = array<i32>} : memref<1x256x5xf32, #tpu.memory_space<vmem>>, vector<1x256x5xf32>,
    %add3A = arith.addf %mul3A_15, %mul3A_55 : vector<256x2048xf32>
    %add3A_61 = arith.addf %add3A, %mul3A_35 : vector<256x2048xf32>
    %add3A_62 = arith.addf %mul3A_25, %mul3A_45 : vector<256x2048xf32>
    %add3A_63 = arith.addf %add3A_61, %add3A_62 : vector<256x2048xf32>
    %sqrt3A = math.sqrt %add3A_63 : vector<256x2048xf32>
    %reduce_min3A = arith.constant dense<0x7F800000> : vector<256xf32>
    %reduce_min3A_64 = vector.multi_reduction <minimumf>, %sqrt3A, %reduce_min3A [1] : vector<256x2048xf32> to vector<256xf32>
    %broadcast_in_dim3A_65 = vector.shape_cast %reduce_min3A_64 : vector<256xf32> to vector<256x1xf32>
    %eq3A_66 = vector.broadcast %broadcast_in_dim3A_65 : vector<256x1xf32> to vector<256x2048xf32>
    %eq3A_67 = arith.cmpf oeq, %sqrt3A, %eq3A_66 : vector<256x2048xf32>
    %jit3A = arith.constant 1073741824 : i32
    %broadcast_in_dim3A_68 = vector.broadcast %jit3A : i32 to vector<256x2048xi32>
    %select_n3A = arith.select %eq3A_67, %iota3A, %broadcast_in_dim3A_68 : vector<256x2048xi1>, vector<256x2048xi32>
    %reduce_min3A_69 = arith.constant dense<2147483647> : vector<256xi32>
    %reduce_min3A_70 = vector.multi_reduction <minsi>, %select_n3A, %reduce_min3A_69 [1] : vector<256x2048xi32> to vector<256xi32>
    %broadcast_in_dim3A_71 = vector.shape_cast %reduce_min3A_70 : vector<256xi32> to vector<256x1xi32>
    %eq3A_72 = vector.broadcast %broadcast_in_dim3A_71 : vector<256x1xi32> to vector<256x2048xi32>
    %eq3A_73 = arith.cmpi eq, %iota3A, %eq3A_72 : vector<256x2048xi32>
    %jit3A_74 = arith.constant 0x7F800000 : f32
    %broadcast_in_dim3A_75 = vector.broadcast %jit3A_74 : f32 to vector<256x2048xf32>
    %select_n3A_76 = arith.select %eq3A_73, %broadcast_in_dim3A_75, %sqrt3A : vector<256x2048xi1>, vector<256x2048xf32>
    %reduce_min3A_77 = arith.constant dense<0x7F800000> : vector<256xf32>
    %reduce_min3A_78 = vector.multi_reduction <minimumf>, %select_n3A_76, %reduce_min3A_77 [1] : vector<256x2048xf32> to vector<256xf32>
    %broadcast_in_dim3A_79 = vector.shape_cast %reduce_min3A_78 : vector<256xf32> to vector<256x1xf32>
    %eq3A_80 = vector.broadcast %broadcast_in_dim3A_79 : vector<256x1xf32> to vector<256x2048xf32>
    %eq3A_81 = arith.cmpf oeq, %select_n3A_76, %eq3A_80 : vector<256x2048xf32>
    %jit3A_82 = arith.constant 1073741824 : i32
    %broadcast_in_dim3A_83 = vector.broadcast %jit3A_82 : i32 to vector<256x2048xi32>
    %select_n3A_84 = arith.select %eq3A_81, %iota3A, %broadcast_in_dim3A_83 : vector<256x2048xi1>, vector<256x2048xi32>
    %reduce_min3A_85 = arith.constant dense<2147483647> : vector<256xi32>
    %reduce_min3A_86 = vector.multi_reduction <minsi>, %select_n3A_84, %reduce_min3A_85 [1] : vector<256x2048xi32> to vector<256xi32>
    %broadcast_in_dim3A_87 = vector.shape_cast %reduce_min3A_86 : vector<256xi32> to vector<256x1xi32>
    %eq3A_88 = vector.broadcast %broadcast_in_dim3A_87 : vector<256x1xi32> to vector<256x2048xi32>
    %eq3A_89 = arith.cmpi eq, %iota3A, %eq3A_88 : vector<256x2048xi32>
    %jit3A_90 = arith.constant 0x7F800000 : f32
    %broadcast_in_dim3A_91 = vector.broadcast %jit3A_90 : f32 to vector<256x2048xf32>
    %select_n3A_92 = arith.select %eq3A_89, %broadcast_in_dim3A_91, %select_n3A_76 : vector<256x2048xi1>, vector<256x2048xf32>
    %reduce_min3A_93 = arith.constant dense<0x7F800000> : vector<256xf32>
    %reduce_min3A_94 = vector.multi_reduction <minimumf>, %select_n3A_92, %reduce_min3A_93 [1] : vector<256x2048xf32> to vector<256xf32>
    %broadcast_in_dim3A_95 = vector.shape_cast %reduce_min3A_94 : vector<256xf32> to vector<256x1xf32>
    %eq3A_96 = vector.broadcast %broadcast_in_dim3A_95 : vector<256x1xf32> to vector<256x2048xf32>
    %eq3A_97 = arith.cmpf oeq, %select_n3A_92, %eq3A_96 : vector<256x2048xf32>
    %jit3A_98 = arith.constant 1073741824 : i32
    %broadcast_in_dim3A_99 = vector.broadcast %jit3A_98 : i32 to vector<256x2048xi32>
    %select_n3A_100 = arith.select %eq3A_97, %iota3A, %broadcast_in_dim3A_99 : vector<256x2048xi1>, vector<256x2048xi32>
    %reduce_min3A_101 = arith.constant dense<2147483647> : vector<256xi32>
    %reduce_min3A_102 = vector.multi_reduction <minsi>, %select_n3A_100, %reduce_min3A_101 [1] : vector<256x2048xi32> to vector<256xi32>
    %broadcast_in_dim3A_103 = vector.shape_cast %reduce_min3A_102 : vector<256xi32> to vector<256x1xi32>
    %eq3A_104 = vector.broadcast %broadcast_in_dim3A_103 : vector<256x1xi32> to vector<256x2048xi32>
    %eq3A_105 = arith.cmpi eq, %iota3A, %eq3A_104 : vector<256x2048xi32>
    %jit3A_106 = arith.constant 0x7F800000 : f32
    %broadcast_in_dim3A_107 = vector.broadcast %jit3A_106 : f32 to vector<256x2048xf32>
    %select_n3A_108 = arith.select %eq3A_105, %broadcast_in_dim3A_107, %select_n3A_92 : vector<256x2048xi1>, vector<256x2048xf32>
    %reduce_min3A_109 = arith.constant dense<0x7F800000> : vector<256xf32>
    %reduce_min3A_110 = vector.multi_reduction <minimumf>, %select_n3A_108, %reduce_min3A_109 [1] : vector<256x2048xf32> to vector<256xf32>
    %broadcast_in_dim3A_111 = vector.shape_cast %reduce_min3A_110 : vector<256xf32> to vector<256x1xf32>
    %eq3A_112 = vector.broadcast %broadcast_in_dim3A_111 : vector<256x1xf32> to vector<256x2048xf32>
    %eq3A_113 = arith.cmpf oeq, %select_n3A_108, %eq3A_112 : vector<256x2048xf32>
    %jit3A_114 = arith.constant 1073741824 : i32
    %broadcast_in_dim3A_115 = vector.broadcast %jit3A_114 : i32 to vector<256x2048xi32>
    %select_n3A_116 = arith.select %eq3A_113, %iota3A, %broadcast_in_dim3A_115 : vector<256x2048xi1>, vector<256x2048xi32>
    %reduce_min3A_117 = arith.constant dense<2147483647> : vector<256xi32>
    %reduce_min3A_118 = vector.multi_reduction <minsi>, %select_n3A_116, %reduce_min3A_117 [1] : vector<256x2048xi32> to vector<256xi32>
    %broadcast_in_dim3A_119 = vector.shape_cast %reduce_min3A_118 : vector<256xi32> to vector<256x1xi32>
    %eq3A_120 = vector.broadcast %broadcast_in_dim3A_119 : vector<256x1xi32> to vector<256x2048xi32>
    %eq3A_121 = arith.cmpi eq, %iota3A, %eq3A_120 : vector<256x2048xi32>
    %jit3A_122 = arith.constant 0x7F800000 : f32
    %broadcast_in_dim3A_123 = vector.broadcast %jit3A_122 : f32 to vector<256x2048xf32>
    %select_n3A_124 = arith.select %eq3A_121, %broadcast_in_dim3A_123, %select_n3A_108 : vector<256x2048xi1>, vector<256x2048xf32>
    %reduce_min3A_125 = arith.constant dense<0x7F800000> : vector<256xf32>
    %reduce_min3A_126 = vector.multi_reduction <minimumf>, %select_n3A_124, %reduce_min3A_125 [1] : vector<256x2048xf32> to vector<256xf32>
    %broadcast_in_dim3A_127 = vector.shape_cast %reduce_min3A_126 : vector<256xf32> to vector<256x1xf32>
    %eq3A_128 = vector.broadcast %broadcast_in_dim3A_127 : vector<256x1xf32> to vector<256x2048xf32>
    %eq3A_129 = arith.cmpf oeq, %select_n3A_124, %eq3A_128 : vector<256x2048xf32>
    %jit3A_130 = arith.constant 1073741824 : i32
    %broadcast_in_dim3A_131 = vector.broadcast %jit3A_130 : i32 to vector<256x2048xi32>
    %select_n3A_132 = arith.select %eq3A_129, %iota3A, %broadcast_in_dim3A_131 : vector<256x2048xi1>, vector<256x2048xi32>
    %reduce_min3A_133 = arith.constant dense<2147483647> : vector<256xi32>
    %reduce_min3A_134 = vector.multi_reduction <minsi>, %select_n3A_132, %reduce_min3A_133 [1] : vector<256x2048xi32> to vector<256xi32>
    %broadcast_in_dim3A_135 = vector.shape_cast %reduce_min3A_134 : vector<256xi32> to vector<256x1xi32>
    %eq3A_136 = vector.broadcast %broadcast_in_dim3A_135 : vector<256x1xi32> to vector<256x2048xi32>
    %eq3A_137 = arith.cmpi eq, %iota3A, %eq3A_136 : vector<256x2048xi32>
    %jit3A_138 = arith.constant 0x7F800000 : f32
    %broadcast_in_dim3A_139 = vector.broadcast %jit3A_138 : f32 to vector<256x2048xf32>
    %select_n3A_140 = arith.select %eq3A_137, %broadcast_in_dim3A_139, %select_n3A_124 : vector<256x2048xi1>, vector<256x2048xf32>
    %reduce_min3A_141 = arith.constant dense<0x7F800000> : vector<256xf32>
    %reduce_min3A_142 = vector.multi_reduction <minimumf>, %select_n3A_140, %reduce_min3A_141 [1] : vector<256x2048xf32> to vector<256xf32>
    %broadcast_in_dim3A_143 = vector.shape_cast %reduce_min3A_142 : vector<256xf32> to vector<256x1xf32>
    %eq3A_144 = vector.broadcast %broadcast_in_dim3A_143 : vector<256x1xf32> to vector<256x2048xf32>
    %eq3A_145 = arith.cmpf oeq, %select_n3A_140, %eq3A_144 : vector<256x2048xf32>
    %jit3A_146 = arith.constant 1073741824 : i32
    %broadcast_in_dim3A_147 = vector.broadcast %jit3A_146 : i32 to vector<256x2048xi32>
    %select_n3A_148 = arith.select %eq3A_145, %iota3A, %broadcast_in_dim3A_147 : vector<256x2048xi1>, vector<256x2048xi32>
    %reduce_min3A_149 = arith.constant dense<2147483647> : vector<256xi32>
    %reduce_min3A_150 = vector.multi_reduction <minsi>, %select_n3A_148, %reduce_min3A_149 [1] : vector<256x2048xi32> to vector<256xi32>
    %broadcast_in_dim3A_151 = vector.shape_cast %reduce_min3A_150 : vector<256xi32> to vector<256x1xi32>
    %eq3A_152 = vector.broadcast %broadcast_in_dim3A_151 : vector<256x1xi32> to vector<256x2048xi32>
    %eq3A_153 = arith.cmpi eq, %iota3A, %eq3A_152 : vector<256x2048xi32>
    %jit3A_154 = arith.constant 0x7F800000 : f32
    %broadcast_in_dim3A_155 = vector.broadcast %jit3A_154 : f32 to vector<256x2048xf32>
    %select_n3A_156 = arith.select %eq3A_153, %broadcast_in_dim3A_155, %select_n3A_140 : vector<256x2048xi1>, vector<256x2048xf32>
    %reduce_min3A_157 = arith.constant dense<0x7F800000> : vector<256xf32>
    %reduce_min3A_158 = vector.multi_reduction <minimumf>, %select_n3A_156, %reduce_min3A_157 [1] : vector<256x2048xf32> to vector<256xf32>
    %broadcast_in_dim3A_159 = vector.shape_cast %reduce_min3A_158 : vector<256xf32> to vector<256x1xf32>
    %eq3A_160 = vector.broadcast %broadcast_in_dim3A_159 : vector<256x1xf32> to vector<256x2048xf32>
    %eq3A_161 = arith.cmpf oeq, %select_n3A_156, %eq3A_160 : vector<256x2048xf32>
    %jit3A_162 = arith.constant 1073741824 : i32
    %broadcast_in_dim3A_163 = vector.broadcast %jit3A_162 : i32 to vector<256x2048xi32>
    %select_n3A_164 = arith.select %eq3A_161, %iota3A, %broadcast_in_dim3A_163 : vector<256x2048xi1>, vector<256x2048xi32>
    %reduce_min3A_165 = arith.constant dense<2147483647> : vector<256xi32>
    %reduce_min3A_166 = vector.multi_reduction <minsi>, %select_n3A_164, %reduce_min3A_165 [1] : vector<256x2048xi32> to vector<256xi32>
    %broadcast_in_dim3A_167 = vector.shape_cast %reduce_min3A_166 : vector<256xi32> to vector<256x1xi32>
    %eq3A_168 = vector.broadcast %broadcast_in_dim3A_167 : vector<256x1xi32> to vector<256x2048xi32>
    %eq3A_169 = arith.cmpi eq, %iota3A, %eq3A_168 : vector<256x2048xi32>
    %jit3A_170 = arith.constant 0x7F800000 : f32
    %broadcast_in_dim3A_171 = vector.broadcast %jit3A_170 : f32 to vector<256x2048xf32>
    %select_n3A_172 = arith.select %eq3A_169, %broadcast_in_dim3A_171, %select_n3A_156 : vector<256x2048xi1>, vector<256x2048xf32>
    %reduce_min3A_173 = arith.constant dense<0x7F800000> : vector<256xf32>
    %reduce_min3A_174 = vector.multi_reduction <minimumf>, %select_n3A_172, %reduce_min3A_173 [1] : vector<256x2048xf32> to vector<256xf32>
    %broadcast_in_dim3A_175 = vector.shape_cast %reduce_min3A_174 : vector<256xf32> to vector<256x1xf32>
    %eq3A_176 = vector.broadcast %broadcast_in_dim3A_175 : vector<256x1xf32> to vector<256x2048xf32>
    %eq3A_177 = arith.cmpf oeq, %select_n3A_172, %eq3A_176 : vector<256x2048xf32>
    %jit3A_178 = arith.constant 1073741824 : i32
    %broadcast_in_dim3A_179 = vector.broadcast %jit3A_178 : i32 to vector<256x2048xi32>
    %select_n3A_180 = arith.select %eq3A_177, %iota3A, %broadcast_in_dim3A_179 : vector<256x2048xi1>, vector<256x2048xi32>
    %reduce_min3A_181 = arith.constant dense<2147483647> : vector<256xi32>
    %reduce_min3A_182 = vector.multi_reduction <minsi>, %select_n3A_180, %reduce_min3A_181 [1] : vector<256x2048xi32> to vector<256xi32>
    %broadcast_in_dim3A_183 = vector.shape_cast %reduce_min3A_182 : vector<256xi32> to vector<256x1xi32>
    %eq3A_184 = vector.broadcast %broadcast_in_dim3A_183 : vector<256x1xi32> to vector<256x2048xi32>
    %eq3A_185 = arith.cmpi eq, %iota3A, %eq3A_184 : vector<256x2048xi32>
    %jit3A_186 = arith.constant 0x7F800000 : f32
    %broadcast_in_dim3A_187 = vector.broadcast %jit3A_186 : f32 to vector<256x2048xf32>
    %select_n3A_188 = arith.select %eq3A_185, %broadcast_in_dim3A_187, %select_n3A_172 : vector<256x2048xi1>, vector<256x2048xf32>
    %reduce_min3A_189 = arith.constant dense<0x7F800000> : vector<256xf32>
    %reduce_min3A_190 = vector.multi_reduction <minimumf>, %select_n3A_188, %reduce_min3A_189 [1] : vector<256x2048xf32> to vector<256xf32>
    %broadcast_in_dim3A_191 = vector.shape_cast %reduce_min3A_190 : vector<256xf32> to vector<256x1xf32>
    %eq3A_192 = vector.broadcast %broadcast_in_dim3A_191 : vector<256x1xf32> to vector<256x2048xf32>
    %eq3A_193 = arith.cmpf oeq, %select_n3A_188, %eq3A_192 : vector<256x2048xf32>
    %jit3A_194 = arith.constant 1073741824 : i32
    %broadcast_in_dim3A_195 = vector.broadcast %jit3A_194 : i32 to vector<256x2048xi32>
    %select_n3A_196 = arith.select %eq3A_193, %iota3A, %broadcast_in_dim3A_195 : vector<256x2048xi1>, vector<256x2048xi32>
    %reduce_min3A_197 = arith.constant dense<2147483647> : vector<256xi32>
    %reduce_min3A_198 = vector.multi_reduction <minsi>, %select_n3A_196, %reduce_min3A_197 [1] : vector<256x2048xi32> to vector<256xi32>
    %broadcast_in_dim3A_199 = vector.shape_cast %reduce_min3A_198 : vector<256xi32> to vector<256x1xi32>
    %eq3A_200 = vector.broadcast %broadcast_in_dim3A_199 : vector<256x1xi32> to vector<256x2048xi32>
    %eq3A_201 = arith.cmpi eq, %iota3A, %eq3A_200 : vector<256x2048xi32>
    %jit3A_202 = arith.constant 0x7F800000 : f32
    %broadcast_in_dim3A_203 = vector.broadcast %jit3A_202 : f32 to vector<256x2048xf32>
    %select_n3A_204 = arith.select %eq3A_201, %broadcast_in_dim3A_203, %select_n3A_188 : vector<256x2048xi1>, vector<256x2048xf32>
    %reduce_min3A_205 = arith.constant dense<0x7F800000> : vector<256xf32>
    %reduce_min3A_206 = vector.multi_reduction <minimumf>, %select_n3A_204, %reduce_min3A_205 [1] : vector<256x2048xf32> to vector<256xf32>
    %broadcast_in_dim3A_207 = vector.shape_cast %reduce_min3A_206 : vector<256xf32> to vector<256x1xf32>
    %eq3A_208 = vector.broadcast %broadcast_in_dim3A_207 : vector<256x1xf32> to vector<256x2048xf32>
    %eq3A_209 = arith.cmpf oeq, %select_n3A_204, %eq3A_208 : vector<256x2048xf32>
    %jit3A_210 = arith.constant 1073741824 : i32
    %broadcast_in_dim3A_211 = vector.broadcast %jit3A_210 : i32 to vector<256x2048xi32>
    %select_n3A_212 = arith.select %eq3A_209, %iota3A, %broadcast_in_dim3A_211 : vector<256x2048xi1>, vector<256x2048xi32>
    %reduce_min3A_213 = arith.constant dense<2147483647> : vector<256xi32>
    %reduce_min3A_214 = vector.multi_reduction <minsi>, %select_n3A_212, %reduce_min3A_213 [1] : vector<256x2048xi32> to vector<256xi32>
    %broadcast_in_dim3A_215 = vector.shape_cast %reduce_min3A_214 : vector<256xi32> to vector<256x1xi32>
    %eq3A_216 = vector.broadcast %broadcast_in_dim3A_215 : vector<256x1xi32> to vector<256x2048xi32>
    %eq3A_217 = arith.cmpi eq, %iota3A, %eq3A_216 : vector<256x2048xi32>
    %jit3A_218 = arith.constant 0x7F800000 : f32
    %broadcast_in_dim3A_219 = vector.broadcast %jit3A_218 : f32 to vector<256x2048xf32>
    %select_n3A_220 = arith.select %eq3A_217, %broadcast_in_dim3A_219, %select_n3A_204 : vector<256x2048xi1>, vector<256x2048xf32>
    %reduce_min3A_221 = arith.constant dense<0x7F800000> : vector<256xf32>
    %reduce_min3A_222 = vector.multi_reduction <minimumf>, %select_n3A_220, %reduce_min3A_221 [1] : vector<256x2048xf32> to vector<256xf32>
    %broadcast_in_dim3A_223 = vector.shape_cast %reduce_min3A_222 : vector<256xf32> to vector<256x1xf32>
    %eq3A_224 = vector.broadcast %broadcast_in_dim3A_223 : vector<256x1xf32> to vector<256x2048xf32>
    %eq3A_225 = arith.cmpf oeq, %select_n3A_220, %eq3A_224 : vector<256x2048xf32>
    %jit3A_226 = arith.constant 1073741824 : i32
    %broadcast_in_dim3A_227 = vector.broadcast %jit3A_226 : i32 to vector<256x2048xi32>
    %select_n3A_228 = arith.select %eq3A_225, %iota3A, %broadcast_in_dim3A_227 : vector<256x2048xi1>, vector<256x2048xi32>
    %reduce_min3A_229 = arith.constant dense<2147483647> : vector<256xi32>
    %reduce_min3A_230 = vector.multi_reduction <minsi>, %select_n3A_228, %reduce_min3A_229 [1] : vector<256x2048xi32> to vector<256xi32>
    %broadcast_in_dim3A_231 = vector.shape_cast %reduce_min3A_230 : vector<256xi32> to vector<256x1xi32>
    %eq3A_232 = vector.broadcast %broadcast_in_dim3A_231 : vector<256x1xi32> to vector<256x2048xi32>
    %eq3A_233 = arith.cmpi eq, %iota3A, %eq3A_232 : vector<256x2048xi32>
    %jit3A_234 = arith.constant 0x7F800000 : f32
    %broadcast_in_dim3A_235 = vector.broadcast %jit3A_234 : f32 to vector<256x2048xf32>
    %select_n3A_236 = arith.select %eq3A_233, %broadcast_in_dim3A_235, %select_n3A_220 : vector<256x2048xi1>, vector<256x2048xf32>
    %reduce_min3A_237 = arith.constant dense<0x7F800000> : vector<256xf32>
    %reduce_min3A_238 = vector.multi_reduction <minimumf>, %select_n3A_236, %reduce_min3A_237 [1] : vector<256x2048xf32> to vector<256xf32>
    %broadcast_in_dim3A_239 = vector.shape_cast %reduce_min3A_238 : vector<256xf32> to vector<256x1xf32>
    %eq3A_240 = vector.broadcast %broadcast_in_dim3A_239 : vector<256x1xf32> to vector<256x2048xf32>
    %eq3A_241 = arith.cmpf oeq, %select_n3A_236, %eq3A_240 : vector<256x2048xf32>
    %jit3A_242 = arith.constant 1073741824 : i32
    %broadcast_in_dim3A_243 = vector.broadcast %jit3A_242 : i32 to vector<256x2048xi32>
    %select_n3A_244 = arith.select %eq3A_241, %iota3A, %broadcast_in_dim3A_243 : vector<256x2048xi1>, vector<256x2048xi32>
    %reduce_min3A_245 = arith.constant dense<2147483647> : vector<256xi32>
    %reduce_min3A_246 = vector.multi_reduction <minsi>, %select_n3A_244, %reduce_min3A_245 [1] : vector<256x2048xi32> to vector<256xi32>
    %broadcast_in_dim3A_247 = vector.shape_cast %reduce_min3A_246 : vector<256xi32> to vector<256x1xi32>
    %eq3A_248 = vector.broadcast %broadcast_in_dim3A_247 : vector<256x1xi32> to vector<256x2048xi32>
    %eq3A_249 = arith.cmpi eq, %iota3A, %eq3A_248 : vector<256x2048xi32>
    %jit3A_250 = arith.constant 0x7F800000 : f32
    %broadcast_in_dim3A_251 = vector.broadcast %jit3A_250 : f32 to vector<256x2048xf32>
    %select_n3A_252 = arith.select %eq3A_249, %broadcast_in_dim3A_251, %select_n3A_236 : vector<256x2048xi1>, vector<256x2048xf32>
    %reduce_min3A_253 = arith.constant dense<0x7F800000> : vector<256xf32>
    %reduce_min3A_254 = vector.multi_reduction <minimumf>, %select_n3A_252, %reduce_min3A_253 [1] : vector<256x2048xf32> to vector<256xf32>
    %broadcast_in_dim3A_255 = vector.shape_cast %reduce_min3A_254 : vector<256xf32> to vector<256x1xf32>
    %eq3A_256 = vector.broadcast %broadcast_in_dim3A_255 : vector<256x1xf32> to vector<256x2048xf32>
    %eq3A_257 = arith.cmpf oeq, %select_n3A_252, %eq3A_256 : vector<256x2048xf32>
    %jit3A_258 = arith.constant 1073741824 : i32
    %broadcast_in_dim3A_259 = vector.broadcast %jit3A_258 : i32 to vector<256x2048xi32>
    %select_n3A_260 = arith.select %eq3A_257, %iota3A, %broadcast_in_dim3A_259 : vector<256x2048xi1>, vector<256x2048xi32>
    %reduce_min3A_261 = arith.constant dense<2147483647> : vector<256xi32>
    %reduce_min3A_262 = vector.multi_reduction <minsi>, %select_n3A_260, %reduce_min3A_261 [1] : vector<256x2048xi32> to vector<256xi32>
    %broadcast_in_dim3A_263 = vector.shape_cast %reduce_min3A_262 : vector<256xi32> to vector<256x1xi32>
    %eq3A_264 = vector.broadcast %broadcast_in_dim3A_263 : vector<256x1xi32> to vector<256x2048xi32>
    %eq3A_265 = arith.cmpi eq, %iota3A, %eq3A_264 : vector<256x2048xi32>
    %jit3A_266 = arith.constant 0x7F800000 : f32
    %broadcast_in_dim3A_267 = vector.broadcast %jit3A_266 : f32 to vector<256x2048xf32>
    %select_n3A_268 = arith.select %eq3A_265, %broadcast_in_dim3A_267, %select_n3A_252 : vector<256x2048xi1>, vector<256x2048xf32>
    %reduce_min3A_269 = arith.constant dense<0x7F800000> : vector<256xf32>
    %reduce_min3A_270 = vector.multi_reduction <minimumf>, %select_n3A_268, %reduce_min3A_269 [1] : vector<256x2048xf32> to vector<256xf32>
    %broadcast_in_dim3A_271 = vector.shape_cast %reduce_min3A_270 : vector<256xf32> to vector<256x1xf32>
    %eq3A_272 = vector.broadcast %broadcast_in_dim3A_271 : vector<256x1xf32> to vector<256x2048xf32>
    %eq3A_273 = arith.cmpf oeq, %select_n3A_268, %eq3A_272 : vector<256x2048xf32>
    %jit3A_274 = arith.constant 1073741824 : i32
    %broadcast_in_dim3A_275 = vector.broadcast %jit3A_274 : i32 to vector<256x2048xi32>
    %select_n3A_276 = arith.select %eq3A_273, %iota3A, %broadcast_in_dim3A_275 : vector<256x2048xi1>, vector<256x2048xi32>
    %reduce_min3A_277 = arith.constant dense<2147483647> : vector<256xi32>
    %reduce_min3A_278 = vector.multi_reduction <minsi>, %select_n3A_276, %reduce_min3A_277 [1] : vector<256x2048xi32> to vector<256xi32>
    %broadcast_in_dim3A_279 = vector.shape_cast %reduce_min3A_278 : vector<256xi32> to vector<256x1xi32>
    %eq3A_280 = vector.broadcast %broadcast_in_dim3A_279 : vector<256x1xi32> to vector<256x2048xi32>
    %eq3A_281 = arith.cmpi eq, %iota3A, %eq3A_280 : vector<256x2048xi32>
    %jit3A_282 = arith.constant 0x7F800000 : f32
    %broadcast_in_dim3A_283 = vector.broadcast %jit3A_282 : f32 to vector<256x2048xf32>
    %select_n3A_284 = arith.select %eq3A_281, %broadcast_in_dim3A_283, %select_n3A_268 : vector<256x2048xi1>, vector<256x2048xf32>
    %reduce_min3A_285 = arith.constant dense<0x7F800000> : vector<256xf32>
    %reduce_min3A_286 = vector.multi_reduction <minimumf>, %select_n3A_284, %reduce_min3A_285 [1] : vector<256x2048xf32> to vector<256xf32>
    %broadcast_in_dim3A_287 = vector.shape_cast %reduce_min3A_286 : vector<256xf32> to vector<256x1xf32>
    %eq3A_288 = vector.broadcast %broadcast_in_dim3A_287 : vector<256x1xf32> to vector<256x2048xf32>
    %eq3A_289 = arith.cmpf oeq, %select_n3A_284, %eq3A_288 : vector<256x2048xf32>
    %jit3A_290 = arith.constant 1073741824 : i32
    %broadcast_in_dim3A_291 = vector.broadcast %jit3A_290 : i32 to vector<256x2048xi32>
    %select_n3A_292 = arith.select %eq3A_289, %iota3A, %broadcast_in_dim3A_291 : vector<256x2048xi1>, vector<256x2048xi32>
    %reduce_min3A_293 = arith.constant dense<2147483647> : vector<256xi32>
    %reduce_min3A_294 = vector.multi_reduction <minsi>, %select_n3A_292, %reduce_min3A_293 [1] : vector<256x2048xi32> to vector<256xi32>
    %broadcast_in_dim3A_295 = vector.shape_cast %reduce_min3A_294 : vector<256xi32> to vector<256x1xi32>
    %eq3A_296 = vector.broadcast %broadcast_in_dim3A_295 : vector<256x1xi32> to vector<256x2048xi32>
    %eq3A_297 = arith.cmpi eq, %iota3A, %eq3A_296 : vector<256x2048xi32>
    %jit3A_298 = arith.constant 0x7F800000 : f32
    %broadcast_in_dim3A_299 = vector.broadcast %jit3A_298 : f32 to vector<256x2048xf32>
    %select_n3A_300 = arith.select %eq3A_297, %broadcast_in_dim3A_299, %select_n3A_284 : vector<256x2048xi1>, vector<256x2048xf32>
    %reduce_min3A_301 = arith.constant dense<0x7F800000> : vector<256xf32>
    %reduce_min3A_302 = vector.multi_reduction <minimumf>, %select_n3A_300, %reduce_min3A_301 [1] : vector<256x2048xf32> to vector<256xf32>
    %broadcast_in_dim3A_303 = vector.shape_cast %reduce_min3A_302 : vector<256xf32> to vector<256x1xf32>
    %eq3A_304 = vector.broadcast %broadcast_in_dim3A_303 : vector<256x1xf32> to vector<256x2048xf32>
    %eq3A_305 = arith.cmpf oeq, %select_n3A_300, %eq3A_304 : vector<256x2048xf32>
    %jit3A_306 = arith.constant 1073741824 : i32
    %broadcast_in_dim3A_307 = vector.broadcast %jit3A_306 : i32 to vector<256x2048xi32>
    %select_n3A_308 = arith.select %eq3A_305, %iota3A, %broadcast_in_dim3A_307 : vector<256x2048xi1>, vector<256x2048xi32>
    %reduce_min3A_309 = arith.constant dense<2147483647> : vector<256xi32>
    %reduce_min3A_310 = vector.multi_reduction <minsi>, %select_n3A_308, %reduce_min3A_309 [1] : vector<256x2048xi32> to vector<256xi32>
    %broadcast_in_dim3A_311 = vector.shape_cast %reduce_min3A_310 : vector<256xi32> to vector<256x1xi32>
    %eq3A_312 = vector.broadcast %broadcast_in_dim3A_311 : vector<256x1xi32> to vector<256x2048xi32>
    %eq3A_313 = arith.cmpi eq, %iota3A, %eq3A_312 : vector<256x2048xi32>
    %jit3A_314 = arith.constant 0x7F800000 : f32
    %broadcast_in_dim3A_315 = vector.broadcast %jit3A_314 : f32 to vector<256x2048xf32>
    %select_n3A_316 = arith.select %eq3A_313, %broadcast_in_dim3A_315, %select_n3A_300 : vector<256x2048xi1>, vector<256x2048xf32>
    %reduce_min3A_317 = arith.constant dense<0x7F800000> : vector<256xf32>
    %reduce_min3A_318 = vector.multi_reduction <minimumf>, %select_n3A_316, %reduce_min3A_317 [1] : vector<256x2048xf32> to vector<256xf32>
    %broadcast_in_dim3A_319 = vector.shape_cast %reduce_min3A_318 : vector<256xf32> to vector<256x1xf32>
    %eq3A_320 = vector.broadcast %broadcast_in_dim3A_319 : vector<256x1xf32> to vector<256x2048xf32>
    %eq3A_321 = arith.cmpf oeq, %select_n3A_316, %eq3A_320 : vector<256x2048xf32>
    %jit3A_322 = arith.constant 1073741824 : i32
    %broadcast_in_dim3A_323 = vector.broadcast %jit3A_322 : i32 to vector<256x2048xi32>
    %select_n3A_324 = arith.select %eq3A_321, %iota3A, %broadcast_in_dim3A_323 : vector<256x2048xi1>, vector<256x2048xi32>
    %reduce_min3A_325 = arith.constant dense<2147483647> : vector<256xi32>
    %reduce_min3A_326 = vector.multi_reduction <minsi>, %select_n3A_324, %reduce_min3A_325 [1] : vector<256x2048xi32> to vector<256xi32>
    %broadcast_in_dim3A_327 = vector.shape_cast %reduce_min3A_326 : vector<256xi32> to vector<256x1xi32>
    %broadcast_in_dim3A_328 = arith.constant false
    %broadcast_in_dim3A_329 = vector.broadcast %broadcast_in_dim3A_328 : i1 to vector<256x1xi1>
    %eq3A_330 = arith.cmpi eq, %broadcast_in_dim3A_71, %get3A_8 : vector<256x1xi32>
    %or3A = arith.ori %broadcast_in_dim3A_329, %eq3A_330 : vector<256x1xi1>
    %select_n3A_331 = arith.select %or3A, %broadcast_in_dim3A_87, %broadcast_in_dim3A_71 : vector<256x1xi1>, vector<256x1xi32>
    %eq3A_332 = arith.cmpi eq, %broadcast_in_dim3A_87, %get3A_8 : vector<256x1xi32>
    %or3A_333 = arith.ori %or3A, %eq3A_332 : vector<256x1xi1>
    %select_n3A_334 = arith.select %or3A_333, %broadcast_in_dim3A_103, %broadcast_in_dim3A_87 : vector<256x1xi1>, vector<256x1xi32>
    %eq3A_335 = arith.cmpi eq, %broadcast_in_dim3A_103, %get3A_8 : vector<256x1xi32>
    %or3A_336 = arith.ori %or3A_333, %eq3A_335 : vector<256x1xi1>
    %select_n3A_337 = arith.select %or3A_336, %broadcast_in_dim3A_119, %broadcast_in_dim3A_103 : vector<256x1xi1>, vector<256x1xi32>
    %eq3A_338 = arith.cmpi eq, %broadcast_in_dim3A_119, %get3A_8 : vector<256x1xi32>
    %or3A_339 = arith.ori %or3A_336, %eq3A_338 : vector<256x1xi1>
    %select_n3A_340 = arith.select %or3A_339, %broadcast_in_dim3A_135, %broadcast_in_dim3A_119 : vector<256x1xi1>, vector<256x1xi32>
    %eq3A_341 = arith.cmpi eq, %broadcast_in_dim3A_135, %get3A_8 : vector<256x1xi32>
    %or3A_342 = arith.ori %or3A_339, %eq3A_341 : vector<256x1xi1>
    %select_n3A_343 = arith.select %or3A_342, %broadcast_in_dim3A_151, %broadcast_in_dim3A_135 : vector<256x1xi1>, vector<256x1xi32>
    %eq3A_344 = arith.cmpi eq, %broadcast_in_dim3A_151, %get3A_8 : vector<256x1xi32>
    %or3A_345 = arith.ori %or3A_342, %eq3A_344 : vector<256x1xi1>
    %select_n3A_346 = arith.select %or3A_345, %broadcast_in_dim3A_167, %broadcast_in_dim3A_151 : vector<256x1xi1>, vector<256x1xi32>
    %eq3A_347 = arith.cmpi eq, %broadcast_in_dim3A_167, %get3A_8 : vector<256x1xi32>
    %or3A_348 = arith.ori %or3A_345, %eq3A_347 : vector<256x1xi1>
    %select_n3A_349 = arith.select %or3A_348, %broadcast_in_dim3A_183, %broadcast_in_dim3A_167 : vector<256x1xi1>, vector<256x1xi32>
    %eq3A_350 = arith.cmpi eq, %broadcast_in_dim3A_183, %get3A_8 : vector<256x1xi32>
    %or3A_351 = arith.ori %or3A_348, %eq3A_350 : vector<256x1xi1>
    %select_n3A_352 = arith.select %or3A_351, %broadcast_in_dim3A_199, %broadcast_in_dim3A_183 : vector<256x1xi1>, vector<256x1xi32>
    %eq3A_353 = arith.cmpi eq, %broadcast_in_dim3A_199, %get3A_8 : vector<256x1xi32>
    %or3A_354 = arith.ori %or3A_351, %eq3A_353 : vector<256x1xi1>
    %select_n3A_355 = arith.select %or3A_354, %broadcast_in_dim3A_215, %broadcast_in_dim3A_199 : vector<256x1xi1>, vector<256x1xi32>
    %eq3A_356 = arith.cmpi eq, %broadcast_in_dim3A_215, %get3A_8 : vector<256x1xi32>
    %or3A_357 = arith.ori %or3A_354, %eq3A_356 : vector<256x1xi1>
    %select_n3A_358 = arith.select %or3A_357, %broadcast_in_dim3A_231, %broadcast_in_dim3A_215 : vector<256x1xi1>, vector<256x1xi32>
    %eq3A_359 = arith.cmpi eq, %broadcast_in_dim3A_231, %get3A_8 : vector<256x1xi32>
    %or3A_360 = arith.ori %or3A_357, %eq3A_359 : vector<256x1xi1>
    %select_n3A_361 = arith.select %or3A_360, %broadcast_in_dim3A_247, %broadcast_in_dim3A_231 : vector<256x1xi1>, vector<256x1xi32>
    %eq3A_362 = arith.cmpi eq, %broadcast_in_dim3A_247, %get3A_8 : vector<256x1xi32>
    %or3A_363 = arith.ori %or3A_360, %eq3A_362 : vector<256x1xi1>
    %select_n3A_364 = arith.select %or3A_363, %broadcast_in_dim3A_263, %broadcast_in_dim3A_247 : vector<256x1xi1>, vector<256x1xi32>
    %eq3A_365 = arith.cmpi eq, %broadcast_in_dim3A_263, %get3A_8 : vector<256x1xi32>
    %or3A_366 = arith.ori %or3A_363, %eq3A_365 : vector<256x1xi1>
    %select_n3A_367 = arith.select %or3A_366, %broadcast_in_dim3A_279, %broadcast_in_dim3A_263 : vector<256x1xi1>, vector<256x1xi32>
    %eq3A_368 = arith.cmpi eq, %broadcast_in_dim3A_279, %get3A_8 : vector<256x1xi32>
    %or3A_369 = arith.ori %or3A_366, %eq3A_368 : vector<256x1xi1>
    %select_n3A_370 = arith.select %or3A_369, %broadcast_in_dim3A_295, %broadcast_in_dim3A_279 : vector<256x1xi1>, vector<256x1xi32>
    %eq3A_371 = arith.cmpi eq, %broadcast_in_dim3A_295, %get3A_8 : vector<256x1xi32>
    %or3A_372 = arith.ori %or3A_369, %eq3A_371 : vector<256x1xi1>
    %select_n3A_373 = arith.select %or3A_372, %broadcast_in_dim3A_311, %broadcast_in_dim3A_295 : vector<256x1xi1>, vector<256x1xi32>
    %eq3A_374 = arith.cmpi eq, %broadcast_in_dim3A_311, %get3A_8 : vector<256x1xi32>
    %or3A_375 = arith.ori %or3A_372, %eq3A_374 : vector<256x1xi1>
    %select_n3A_376 = arith.select %or3A_375, %broadcast_in_dim3A_327, %broadcast_in_dim3A_311 : vector<256x1xi1>, vector<256x1xi32>
    %concatenate3A_377 = tpu.concatenate %select_n3A_331, %select_n3A_334, %select_n3A_337, %select_n3A_340, %select_n3A_343, %select_n3A_346, %select_n3A_349, %select_n3A_352, %select_n3A_355, %select_n3A_358, %select_n3A_361, %select_n3A_364, %select_n3A_367, %select_n3A_370, %select_n3A_373, %select_n3A_376 in 1 : vector<256x1xi32>, vector<256x1xi32>, vector<256x1xi32>, vector<256x1xi32>, vector<256x1xi32>, vector<256x1xi32>, vector<256x1xi32>, vector<256x1xi32>, vector<256x1xi32>, vector<256x1xi32>, vector<256x1xi32>, vector<256x1xi32>, vector<256x1xi32>, vector<256x1xi32>, vector<256x1xi32>, vector<256x1xi32> -> vector<256x16xi32>
    %swap3A_378 = arith.constant 0 : index
    %swap3A_379 = arith.constant 0 : index
    %swap3A_380 = arith.constant 0 : index
    %swap3A_381 = vector.load %arg4[%swap3A_378, %swap3A_379, %swap3A_380] : memref<1x256x16xi32, #tpu.memory_space<vmem>>, vector<1x256x16xi32>
    %swap3A_382 = vector.shape_cast %swap3A_381 : vector<1x256x16xi32> to vector<256x16xi32>
    %swap3A_383 = vector.shape_cast %concatenate3A_377 : vector<256x16xi32> to vector<1x256x16xi32>
    tpu.vector_store %arg4[%swap3A_378, %swap3A_379, %swap3A_380], %swap3A_383 {strides = array<i32>} : memref<1x256x16xi32, #tpu.memory_space<vmem>>, vector<1x256x16xi32>,
    return
  }
  func.func @transform_0(%arg0: i32, %arg1: i32) -> (i32, i32, i32) {
    %c0_i32 = arith.constant 0 : i32
    %c0_i32_0 = arith.constant 0 : i32
    %c0_i32_1 = arith.constant 0 : i32
    return %arg0, %c0_i32, %c0_i32_0 : i32, i32, i32
  }
  func.func @transform_1(%arg0: i32, %arg1: i32) -> (i32, i32, i32) {
    %c0_i32 = arith.constant 0 : i32
    %c0_i32_0 = arith.constant 0 : i32
    return %arg0, %arg1, %c0_i32 : i32, i32, i32
  }
  func.func @transform_2(%arg0: i32, %arg1: i32) -> (i32, i32, i32) {
    %c0_i32 = arith.constant 0 : i32
    %c0_i32_0 = arith.constant 0 : i32
    return %arg0, %arg1, %c0_i32 : i32, i32, i32
  }
  func.func @transform_3(%arg0: i32, %arg1: i32) -> (i32, i32, i32) {
    %c0_i32 = arith.constant 0 : i32
    %c0_i32_0 = arith.constant 0 : i32
    return %arg0, %arg1, %c0_i32 : i32, i32, i32
  }
}

module attributes {stable_mosaic.version = 14 : i64} {
  func.func @_linear_body(%arg0: i32, %arg1: i32, %arg2: memref<1x256x256xf32, #tpu.memory_space<vmem>>, %arg3: memref<1x256x5xf32, #tpu.memory_space<vmem>>, %arg4: memref<256x512xf32, #tpu.memory_space<vmem>>, %arg5: memref<5x512xf32, #tpu.memory_space<vmem>>, %arg6: memref<1x512xf32, #tpu.memory_space<vmem>>, %arg7: memref<1x256x512xf32, #tpu.memory_space<vmem>>) attributes {dimension_semantics = [#tpu.dimension_semantics<arbitrary>, #tpu.dimension_semantics<arbitrary>], iteration_bounds = array<i64: 4, 8>, scalar_prefetch = 0 : i64, scratch_operands = 0 : i64, tpu.core_type = #tpu.core_type<tc>, window_params = [{transform_indices = @transform_0, window_bounds = array<i64: 1, 256, 256>}, {transform_indices = @transform_1, window_bounds = array<i64: 1, 256, 5>}, {pipeline_mode = #tpu.pipeline_mode<synchronous>, transform_indices = @transform_2, window_bounds = array<i64: 256, 512>}, {pipeline_mode = #tpu.pipeline_mode<synchronous>, transform_indices = @transform_3, window_bounds = array<i64: 5, 512>}, {pipeline_mode = #tpu.pipeline_mode<synchronous>, transform_indices = @transform_4, window_bounds = array<i64: 1, 512>}, {transform_indices = @transform_5, window_bounds = array<i64: 1, 256, 512>}]} {
    %get3A = arith.constant 0 : index
    %get3A_0 = arith.constant 0 : index
    %get3A_1 = arith.constant 0 : index
    %get3A_2 = vector.load %arg2[%get3A, %get3A_0, %get3A_1] : memref<1x256x256xf32, #tpu.memory_space<vmem>>, vector<1x256x256xf32>
    %get3A_3 = vector.shape_cast %get3A_2 : vector<1x256x256xf32> to vector<256x256xf32>
    %get3A_4 = arith.constant 0 : index
    %get3A_5 = arith.constant 0 : index
    %get3A_6 = vector.load %arg4[%get3A_4, %get3A_5] : memref<256x512xf32, #tpu.memory_space<vmem>>, vector<256x512xf32>
    %dot_general3A = arith.constant dense<0.000000e+00> : vector<256x512xf32>
    %dot_general3A_7 = tpu.matmul %get3A_3, %get3A_6, %dot_general3A {dimension_numbers = #tpu.dot_dimension_numbers<[1], [0], [0], [1], [0, 0, 1, 1], [], []>, transpose_lhs_hint = false} : vector<256x256xf32>, vector<256x512xf32>, vector<256x512xf32> -> vector<256x512xf32>
    %get3A_8 = arith.constant 0 : index
    %get3A_9 = arith.constant 0 : index
    %get3A_10 = arith.constant 0 : index
    %get3A_11 = vector.load %arg3[%get3A_8, %get3A_9, %get3A_10] : memref<1x256x5xf32, #tpu.memory_space<vmem>>, vector<1x256x5xf32>
    %get3A_12 = vector.shape_cast %get3A_11 : vector<1x256x5xf32> to vector<256x5xf32>
    %get3A_13 = arith.constant 0 : index
    %get3A_14 = arith.constant 0 : index
    %get3A_15 = vector.load %arg5[%get3A_13, %get3A_14] : memref<5x512xf32, #tpu.memory_space<vmem>>, vector<5x512xf32>
    %dot_general3A_16 = arith.constant dense<0.000000e+00> : vector<256x512xf32>
    %dot_general3A_17 = tpu.matmul %get3A_12, %get3A_15, %dot_general3A_16 {dimension_numbers = #tpu.dot_dimension_numbers<[1], [0], [0], [1], [0, 0, 1, 1], [], []>, transpose_lhs_hint = false} : vector<256x5xf32>, vector<5x512xf32>, vector<256x512xf32> -> vector<256x512xf32>
    %add3A = arith.addf %dot_general3A_7, %dot_general3A_17 : vector<256x512xf32>
    %get3A_18 = arith.constant 0 : index
    %get3A_19 = arith.constant 0 : index
    %get3A_20 = vector.load %arg6[%get3A_18, %get3A_19] : memref<1x512xf32, #tpu.memory_space<vmem>>, vector<1x512xf32>
    %add3A_21 = vector.broadcast %get3A_20 : vector<1x512xf32> to vector<256x512xf32>
    %add3A_22 = arith.addf %add3A, %add3A_21 : vector<256x512xf32>
    %swap3A = arith.constant 0 : index
    %swap3A_23 = arith.constant 0 : index
    %swap3A_24 = arith.constant 0 : index
    %swap3A_25 = vector.load %arg7[%swap3A, %swap3A_23, %swap3A_24] : memref<1x256x512xf32, #tpu.memory_space<vmem>>, vector<1x256x512xf32>
    %swap3A_26 = vector.shape_cast %swap3A_25 : vector<1x256x512xf32> to vector<256x512xf32>
    %swap3A_27 = vector.shape_cast %add3A_22 : vector<256x512xf32> to vector<1x256x512xf32>
    tpu.vector_store %arg7[%swap3A, %swap3A_23, %swap3A_24], %swap3A_27 {strides = array<i32>} : memref<1x256x512xf32, #tpu.memory_space<vmem>>, vector<1x256x512xf32>,
    return
  }
  func.func @transform_0(%arg0: i32, %arg1: i32) -> (i32, i32, i32) {
    %c0_i32 = arith.constant 0 : i32
    %c0_i32_0 = arith.constant 0 : i32
    return %arg0, %arg1, %c0_i32 : i32, i32, i32
  }
  func.func @transform_1(%arg0: i32, %arg1: i32) -> (i32, i32, i32) {
    %c0_i32 = arith.constant 0 : i32
    %c0_i32_0 = arith.constant 0 : i32
    return %arg0, %arg1, %c0_i32 : i32, i32, i32
  }
  func.func @transform_2(%arg0: i32, %arg1: i32) -> (i32, i32) {
    %c0_i32 = arith.constant 0 : i32
    %c0_i32_0 = arith.constant 0 : i32
    %c0_i32_1 = arith.constant 0 : i32
    return %c0_i32, %c0_i32_0 : i32, i32
  }
  func.func @transform_3(%arg0: i32, %arg1: i32) -> (i32, i32) {
    %c0_i32 = arith.constant 0 : i32
    %c0_i32_0 = arith.constant 0 : i32
    %c0_i32_1 = arith.constant 0 : i32
    return %c0_i32, %c0_i32_0 : i32, i32
  }
  func.func @transform_4(%arg0: i32, %arg1: i32) -> (i32, i32) {
    %c0_i32 = arith.constant 0 : i32
    %c0_i32_0 = arith.constant 0 : i32
    %c0_i32_1 = arith.constant 0 : i32
    return %c0_i32, %c0_i32_0 : i32, i32
  }
  func.func @transform_5(%arg0: i32, %arg1: i32) -> (i32, i32, i32) {
    %c0_i32 = arith.constant 0 : i32
    %c0_i32_0 = arith.constant 0 : i32
    return %arg0, %arg1, %c0_i32 : i32, i32, i32
  }
}

module attributes {stable_mosaic.version = 14 : i64} {
  func.func @_reduce_body(%arg0: i32, %arg1: i32, %arg2: i32, %arg3: memref<1x1x128x512xf32, #tpu.memory_space<vmem>>, %arg4: memref<1x1x128x5xf32, #tpu.memory_space<vmem>>, %arg5: memref<5x512xf32, #tpu.memory_space<vmem>>, %arg6: memref<1x1x128x512xf32, #tpu.memory_space<vmem>>, %arg7: memref<1x1x128x512xf32, #tpu.memory_space<vmem>>, %arg8: memref<1x1x128x1xf32, #tpu.memory_space<vmem>>, %arg9: memref<1x1x128x1xf32, #tpu.memory_space<vmem>>) attributes {dimension_semantics = [#tpu.dimension_semantics<arbitrary>, #tpu.dimension_semantics<arbitrary>, #tpu.dimension_semantics<arbitrary>], iteration_bounds = array<i64: 4, 8, 16>, scalar_prefetch = 0 : i64, scratch_operands = 0 : i64, tpu.core_type = #tpu.core_type<tc>, window_params = [{transform_indices = @transform_0, window_bounds = array<i64: 1, 1, 128, 512>}, {transform_indices = @transform_1, window_bounds = array<i64: 1, 1, 128, 5>}, {pipeline_mode = #tpu.pipeline_mode<synchronous>, transform_indices = @transform_2, window_bounds = array<i64: 5, 512>}, {transform_indices = @transform_3, window_bounds = array<i64: 1, 1, 128, 512>}, {transform_indices = @transform_4, window_bounds = array<i64: 1, 1, 128, 512>}, {transform_indices = @transform_5, window_bounds = array<i64: 1, 1, 128, 1>}, {transform_indices = @transform_6, window_bounds = array<i64: 1, 1, 128, 1>}]} {
    %get3A = arith.constant 0 : index
    %get3A_0 = arith.constant 0 : index
    %get3A_1 = arith.constant 0 : index
    %get3A_2 = arith.constant 0 : index
    %get3A_3 = vector.load %arg4[%get3A, %get3A_0, %get3A_1, %get3A_2] : memref<1x1x128x5xf32, #tpu.memory_space<vmem>>, vector<1x1x128x5xf32>
    %get3A_4 = vector.shape_cast %get3A_3 : vector<1x1x128x5xf32> to vector<128x5xf32>
    %get3A_5 = arith.constant 0 : index
    %get3A_6 = arith.constant 0 : index
    %get3A_7 = vector.load %arg5[%get3A_5, %get3A_6] : memref<5x512xf32, #tpu.memory_space<vmem>>, vector<5x512xf32>
    %dot_general3A = arith.constant dense<0.000000e+00> : vector<128x512xf32>
    %dot_general3A_8 = tpu.matmul %get3A_4, %get3A_7, %dot_general3A {dimension_numbers = #tpu.dot_dimension_numbers<[1], [0], [0], [1], [0, 0, 1, 1], [], []>, transpose_lhs_hint = false} : vector<128x5xf32>, vector<5x512xf32>, vector<128x512xf32> -> vector<128x512xf32>
    %get3A_9 = arith.constant 0 : index
    %get3A_10 = arith.constant 0 : index
    %get3A_11 = arith.constant 0 : index
    %get3A_12 = arith.constant 0 : index
    %get3A_13 = vector.load %arg3[%get3A_9, %get3A_10, %get3A_11, %get3A_12] : memref<1x1x128x512xf32, #tpu.memory_space<vmem>>, vector<1x1x128x512xf32>
    %get3A_14 = vector.shape_cast %get3A_13 : vector<1x1x128x512xf32> to vector<128x512xf32>
    %sub3A = arith.subf %get3A_14, %dot_general3A_8 : vector<128x512xf32>
    %reduce_sum3A = arith.constant dense<0.000000e+00> : vector<128xf32>
    %reduce_sum3A_15 = vector.multi_reduction <add>, %sub3A, %reduce_sum3A [1] : vector<128x512xf32> to vector<128xf32>
    %broadcast_in_dim3A = vector.shape_cast %reduce_sum3A_15 : vector<128xf32> to vector<128x1xf32>
    %mul3A = arith.mulf %sub3A, %sub3A : vector<128x512xf32>
    %reduce_sum3A_16 = arith.constant dense<0.000000e+00> : vector<128xf32>
    %reduce_sum3A_17 = vector.multi_reduction <add>, %mul3A, %reduce_sum3A_16 [1] : vector<128x512xf32> to vector<128xf32>
    %broadcast_in_dim3A_18 = vector.shape_cast %reduce_sum3A_17 : vector<128xf32> to vector<128x1xf32>
    %eq3A = arith.constant 0 : i32
    %eq3A_19 = arith.cmpi eq, %arg2, %eq3A : i32
    %convert_element_type3A = arith.extui %eq3A_19 : i1 to i32
    %cond3A = arith.constant 0 : i32
    %cond3A_20 = arith.cmpi ne, %convert_element_type3A, %cond3A : i32
    scf.if %cond3A_20 {
      %swap3A = arith.constant 0 : index
      %swap3A_25 = arith.constant 0 : index
      %swap3A_26 = arith.constant 0 : index
      %swap3A_27 = arith.constant 0 : index
      %swap3A_28 = vector.load %arg6[%swap3A, %swap3A_25, %swap3A_26, %swap3A_27] : memref<1x1x128x512xf32, #tpu.memory_space<vmem>>, vector<1x1x128x512xf32>
      %swap3A_29 = vector.shape_cast %swap3A_28 : vector<1x1x128x512xf32> to vector<128x512xf32>
      %swap3A_30 = vector.shape_cast %sub3A : vector<128x512xf32> to vector<1x1x128x512xf32>
      tpu.vector_store %arg6[%swap3A, %swap3A_25, %swap3A_26, %swap3A_27], %swap3A_30 {strides = array<i32>} : memref<1x1x128x512xf32, #tpu.memory_space<vmem>>, vector<1x1x128x512xf32>,
      %swap3A_31 = arith.constant 0 : index
      %swap3A_32 = arith.constant 0 : index
      %swap3A_33 = arith.constant 0 : index
      %swap3A_34 = arith.constant 0 : index
      %swap3A_35 = vector.load %arg7[%swap3A_31, %swap3A_32, %swap3A_33, %swap3A_34] : memref<1x1x128x512xf32, #tpu.memory_space<vmem>>, vector<1x1x128x512xf32>
      %swap3A_36 = vector.shape_cast %swap3A_35 : vector<1x1x128x512xf32> to vector<128x512xf32>
      %swap3A_37 = vector.shape_cast %sub3A : vector<128x512xf32> to vector<1x1x128x512xf32>
      tpu.vector_store %arg7[%swap3A_31, %swap3A_32, %swap3A_33, %swap3A_34], %swap3A_37 {strides = array<i32>} : memref<1x1x128x512xf32, #tpu.memory_space<vmem>>, vector<1x1x128x512xf32>,
      %swap3A_38 = arith.constant 0 : index
      %swap3A_39 = arith.constant 0 : index
      %swap3A_40 = arith.constant 0 : index
      %swap3A_41 = arith.constant 0 : index
      %swap3A_42 = vector.load %arg8[%swap3A_38, %swap3A_39, %swap3A_40, %swap3A_41] : memref<1x1x128x1xf32, #tpu.memory_space<vmem>>, vector<1x1x128x1xf32>
      %swap3A_43 = vector.shape_cast %swap3A_42 : vector<1x1x128x1xf32> to vector<128x1xf32>
      %swap3A_44 = vector.shape_cast %broadcast_in_dim3A : vector<128x1xf32> to vector<1x1x128x1xf32>
      tpu.vector_store %arg8[%swap3A_38, %swap3A_39, %swap3A_40, %swap3A_41], %swap3A_44 {strides = array<i32>} : memref<1x1x128x1xf32, #tpu.memory_space<vmem>>, vector<1x1x128x1xf32>,
      %swap3A_45 = arith.constant 0 : index
      %swap3A_46 = arith.constant 0 : index
      %swap3A_47 = arith.constant 0 : index
      %swap3A_48 = arith.constant 0 : index
      %swap3A_49 = vector.load %arg9[%swap3A_45, %swap3A_46, %swap3A_47, %swap3A_48] : memref<1x1x128x1xf32, #tpu.memory_space<vmem>>, vector<1x1x128x1xf32>
      %swap3A_50 = vector.shape_cast %swap3A_49 : vector<1x1x128x1xf32> to vector<128x1xf32>
      %swap3A_51 = vector.shape_cast %broadcast_in_dim3A_18 : vector<128x1xf32> to vector<1x1x128x1xf32>
      tpu.vector_store %arg9[%swap3A_45, %swap3A_46, %swap3A_47, %swap3A_48], %swap3A_51 {strides = array<i32>} : memref<1x1x128x1xf32, #tpu.memory_space<vmem>>, vector<1x1x128x1xf32>,
    } else {
    }
    %gt3A = arith.constant 0 : i32
    %gt3A_21 = arith.cmpi sgt, %arg2, %gt3A : i32
    %convert_element_type3A_22 = arith.extui %gt3A_21 : i1 to i32
    %cond3A_23 = arith.constant 0 : i32
    %cond3A_24 = arith.cmpi ne, %convert_element_type3A_22, %cond3A_23 : i32
    scf.if %cond3A_24 {
      %get3A_25 = arith.constant 0 : index
      %get3A_26 = arith.constant 0 : index
      %get3A_27 = arith.constant 0 : index
      %get3A_28 = arith.constant 0 : index
      %get3A_29 = vector.load %arg6[%get3A_25, %get3A_26, %get3A_27, %get3A_28] : memref<1x1x128x512xf32, #tpu.memory_space<vmem>>, vector<1x1x128x512xf32>
      %get3A_30 = vector.shape_cast %get3A_29 : vector<1x1x128x512xf32> to vector<128x512xf32>
      %max3A = arith.maximumf %get3A_30, %sub3A : vector<128x512xf32>
      %swap3A = arith.constant 0 : index
      %swap3A_31 = arith.constant 0 : index
      %swap3A_32 = arith.constant 0 : index
      %swap3A_33 = arith.constant 0 : index
      %swap3A_34 = vector.load %arg6[%swap3A, %swap3A_31, %swap3A_32, %swap3A_33] : memref<1x1x128x512xf32, #tpu.memory_space<vmem>>, vector<1x1x128x512xf32>
      %swap3A_35 = vector.shape_cast %swap3A_34 : vector<1x1x128x512xf32> to vector<128x512xf32>
      %swap3A_36 = vector.shape_cast %max3A : vector<128x512xf32> to vector<1x1x128x512xf32>
      tpu.vector_store %arg6[%swap3A, %swap3A_31, %swap3A_32, %swap3A_33], %swap3A_36 {strides = array<i32>} : memref<1x1x128x512xf32, #tpu.memory_space<vmem>>, vector<1x1x128x512xf32>,
      %get3A_37 = arith.constant 0 : index
      %get3A_38 = arith.constant 0 : index
      %get3A_39 = arith.constant 0 : index
      %get3A_40 = arith.constant 0 : index
      %get3A_41 = vector.load %arg7[%get3A_37, %get3A_38, %get3A_39, %get3A_40] : memref<1x1x128x512xf32, #tpu.memory_space<vmem>>, vector<1x1x128x512xf32>
      %get3A_42 = vector.shape_cast %get3A_41 : vector<1x1x128x512xf32> to vector<128x512xf32>
      %min3A = arith.minimumf %get3A_42, %sub3A : vector<128x512xf32>
      %swap3A_43 = arith.constant 0 : index
      %swap3A_44 = arith.constant 0 : index
      %swap3A_45 = arith.constant 0 : index
      %swap3A_46 = arith.constant 0 : index
      %swap3A_47 = vector.load %arg7[%swap3A_43, %swap3A_44, %swap3A_45, %swap3A_46] : memref<1x1x128x512xf32, #tpu.memory_space<vmem>>, vector<1x1x128x512xf32>
      %swap3A_48 = vector.shape_cast %swap3A_47 : vector<1x1x128x512xf32> to vector<128x512xf32>
      %swap3A_49 = vector.shape_cast %min3A : vector<128x512xf32> to vector<1x1x128x512xf32>
      tpu.vector_store %arg7[%swap3A_43, %swap3A_44, %swap3A_45, %swap3A_46], %swap3A_49 {strides = array<i32>} : memref<1x1x128x512xf32, #tpu.memory_space<vmem>>, vector<1x1x128x512xf32>,
      %get3A_50 = arith.constant 0 : index
      %get3A_51 = arith.constant 0 : index
      %get3A_52 = arith.constant 0 : index
      %get3A_53 = arith.constant 0 : index
      %get3A_54 = vector.load %arg8[%get3A_50, %get3A_51, %get3A_52, %get3A_53] : memref<1x1x128x1xf32, #tpu.memory_space<vmem>>, vector<1x1x128x1xf32>
      %get3A_55 = vector.shape_cast %get3A_54 : vector<1x1x128x1xf32> to vector<128x1xf32>
      %add3A = arith.addf %get3A_55, %broadcast_in_dim3A : vector<128x1xf32>
      %swap3A_56 = arith.constant 0 : index
      %swap3A_57 = arith.constant 0 : index
      %swap3A_58 = arith.constant 0 : index
      %swap3A_59 = arith.constant 0 : index
      %swap3A_60 = vector.load %arg8[%swap3A_56, %swap3A_57, %swap3A_58, %swap3A_59] : memref<1x1x128x1xf32, #tpu.memory_space<vmem>>, vector<1x1x128x1xf32>
      %swap3A_61 = vector.shape_cast %swap3A_60 : vector<1x1x128x1xf32> to vector<128x1xf32>
      %swap3A_62 = vector.shape_cast %add3A : vector<128x1xf32> to vector<1x1x128x1xf32>
      tpu.vector_store %arg8[%swap3A_56, %swap3A_57, %swap3A_58, %swap3A_59], %swap3A_62 {strides = array<i32>} : memref<1x1x128x1xf32, #tpu.memory_space<vmem>>, vector<1x1x128x1xf32>,
      %get3A_63 = arith.constant 0 : index
      %get3A_64 = arith.constant 0 : index
      %get3A_65 = arith.constant 0 : index
      %get3A_66 = arith.constant 0 : index
      %get3A_67 = vector.load %arg9[%get3A_63, %get3A_64, %get3A_65, %get3A_66] : memref<1x1x128x1xf32, #tpu.memory_space<vmem>>, vector<1x1x128x1xf32>
      %get3A_68 = vector.shape_cast %get3A_67 : vector<1x1x128x1xf32> to vector<128x1xf32>
      %add3A_69 = arith.addf %get3A_68, %broadcast_in_dim3A_18 : vector<128x1xf32>
      %swap3A_70 = arith.constant 0 : index
      %swap3A_71 = arith.constant 0 : index
      %swap3A_72 = arith.constant 0 : index
      %swap3A_73 = arith.constant 0 : index
      %swap3A_74 = vector.load %arg9[%swap3A_70, %swap3A_71, %swap3A_72, %swap3A_73] : memref<1x1x128x1xf32, #tpu.memory_space<vmem>>, vector<1x1x128x1xf32>
      %swap3A_75 = vector.shape_cast %swap3A_74 : vector<1x1x128x1xf32> to vector<128x1xf32>
      %swap3A_76 = vector.shape_cast %add3A_69 : vector<128x1xf32> to vector<1x1x128x1xf32>
      tpu.vector_store %arg9[%swap3A_70, %swap3A_71, %swap3A_72, %swap3A_73], %swap3A_76 {strides = array<i32>} : memref<1x1x128x1xf32, #tpu.memory_space<vmem>>, vector<1x1x128x1xf32>,
    } else {
    }
    return
  }
  func.func @transform_0(%arg0: i32, %arg1: i32, %arg2: i32) -> (i32, i32, i32, i32) {
    %mul3A = arith.constant 8 : i32
    %mul3A_0 = arith.muli %arg0, %mul3A : i32
    %add3A = arith.addi %mul3A_0, %arg1 : i32
    %c0_i32 = arith.constant 0 : i32
    %c0_i32_1 = arith.constant 0 : i32
    %c0_i32_2 = arith.constant 0 : i32
    return %arg2, %add3A, %c0_i32, %c0_i32_1 : i32, i32, i32, i32
  }
  func.func @transform_1(%arg0: i32, %arg1: i32, %arg2: i32) -> (i32, i32, i32, i32) {
    %c0_i32 = arith.constant 0 : i32
    %c0_i32_0 = arith.constant 0 : i32
    %c0_i32_1 = arith.constant 0 : i32
    return %arg0, %arg1, %c0_i32, %c0_i32_0 : i32, i32, i32, i32
  }
  func.func @transform_2(%arg0: i32, %arg1: i32, %arg2: i32) -> (i32, i32) {
    %c0_i32 = arith.constant 0 : i32
    %c0_i32_0 = arith.constant 0 : i32
    %c0_i32_1 = arith.constant 0 : i32
    return %c0_i32, %c0_i32_0 : i32, i32
  }
  func.func @transform_3(%arg0: i32, %arg1: i32, %arg2: i32) -> (i32, i32, i32, i32) {
    %c0_i32 = arith.constant 0 : i32
    %c0_i32_0 = arith.constant 0 : i32
    %c0_i32_1 = arith.constant 0 : i32
    return %arg0, %arg1, %c0_i32, %c0_i32_0 : i32, i32, i32, i32
  }
  func.func @transform_4(%arg0: i32, %arg1: i32, %arg2: i32) -> (i32, i32, i32, i32) {
    %c0_i32 = arith.constant 0 : i32
    %c0_i32_0 = arith.constant 0 : i32
    %c0_i32_1 = arith.constant 0 : i32
    return %arg0, %arg1, %c0_i32, %c0_i32_0 : i32, i32, i32, i32
  }
  func.func @transform_5(%arg0: i32, %arg1: i32, %arg2: i32) -> (i32, i32, i32, i32) {
    %c0_i32 = arith.constant 0 : i32
    %c0_i32_0 = arith.constant 0 : i32
    %c0_i32_1 = arith.constant 0 : i32
    return %arg0, %arg1, %c0_i32, %c0_i32_0 : i32, i32, i32, i32
  }
  func.func @transform_6(%arg0: i32, %arg1: i32, %arg2: i32) -> (i32, i32, i32, i32) {
    %c0_i32 = arith.constant 0 : i32
    %c0_i32_0 = arith.constant 0 : i32
    %c0_i32_1 = arith.constant 0 : i32
    return %arg0, %arg1, %c0_i32, %c0_i32_0 : i32, i32, i32, i32
  }
}

module attributes {stable_mosaic.version = 14 : i64} {
  func.func @_final_body(%arg0: i32, %arg1: memref<4x1x128x512xf32, #tpu.memory_space<vmem>>, %arg2: memref<4x1x128x512xf32, #tpu.memory_space<vmem>>, %arg3: memref<1x128x4xf32, #tpu.memory_space<vmem>>, %arg4: memref<1x128x4xf32, #tpu.memory_space<vmem>>, %arg5: memref<1x128x1xf32, #tpu.memory_space<vmem>>, %arg6: memref<1x128x1xf32, #tpu.memory_space<vmem>>, %arg7: memref<4x1x128x512xf32, #tpu.memory_space<vmem>>) attributes {dimension_semantics = [#tpu.dimension_semantics<arbitrary>], iteration_bounds = array<i64: 8>, scalar_prefetch = 0 : i64, scratch_operands = 0 : i64, tpu.core_type = #tpu.core_type<tc>, window_params = [{transform_indices = @transform_0, window_bounds = array<i64: 4, 1, 128, 512>}, {transform_indices = @transform_1, window_bounds = array<i64: 4, 1, 128, 512>}, {transform_indices = @transform_2, window_bounds = array<i64: 1, 128, 4>}, {transform_indices = @transform_3, window_bounds = array<i64: 1, 128, 4>}, {transform_indices = @transform_4, window_bounds = array<i64: 1, 128, 1>}, {transform_indices = @transform_5, window_bounds = array<i64: 1, 128, 1>}, {transform_indices = @transform_6, window_bounds = array<i64: 4, 1, 128, 512>}]} {
    %get3A = arith.constant 0 : index
    %get3A_0 = arith.constant 0 : index
    %get3A_1 = arith.constant 0 : index
    %get3A_2 = vector.load %arg3[%get3A, %get3A_0, %get3A_1] : memref<1x128x4xf32, #tpu.memory_space<vmem>>, vector<1x128x4xf32>
    %reduce_sum3A = arith.constant dense<0.000000e+00> : vector<1x128xf32>
    %reduce_sum3A_3 = vector.multi_reduction <add>, %get3A_2, %reduce_sum3A [2] : vector<1x128x4xf32> to vector<1x128xf32>
    %broadcast_in_dim3A = vector.shape_cast %reduce_sum3A_3 : vector<1x128xf32> to vector<1x128x1xf32>
    %div3A = arith.constant 3.276800e+04 : f32
    %div3A_4 = vector.broadcast %div3A : f32 to vector<1x128x1xf32>
    %div3A_5 = arith.divf %broadcast_in_dim3A, %div3A_4 : vector<1x128x1xf32>
    %get3A_6 = arith.constant 0 : index
    %get3A_7 = arith.constant 0 : index
    %get3A_8 = arith.constant 0 : index
    %get3A_9 = vector.load %arg4[%get3A_6, %get3A_7, %get3A_8] : memref<1x128x4xf32, #tpu.memory_space<vmem>>, vector<1x128x4xf32>
    %reduce_sum3A_10 = arith.constant dense<0.000000e+00> : vector<1x128xf32>
    %reduce_sum3A_11 = vector.multi_reduction <add>, %get3A_9, %reduce_sum3A_10 [2] : vector<1x128x4xf32> to vector<1x128xf32>
    %broadcast_in_dim3A_12 = vector.shape_cast %reduce_sum3A_11 : vector<1x128xf32> to vector<1x128x1xf32>
    %div3A_13 = arith.constant 3.276800e+04 : f32
    %div3A_14 = vector.broadcast %div3A_13 : f32 to vector<1x128x1xf32>
    %div3A_15 = arith.divf %broadcast_in_dim3A_12, %div3A_14 : vector<1x128x1xf32>
    %mul3A = arith.mulf %div3A_5, %div3A_5 : vector<1x128x1xf32>
    %sub3A = arith.subf %div3A_15, %mul3A : vector<1x128x1xf32>
    %get3A_16 = arith.constant 0 : index
    %get3A_17 = arith.constant 0 : index
    %get3A_18 = arith.constant 0 : index
    %get3A_19 = vector.load %arg5[%get3A_16, %get3A_17, %get3A_18] : memref<1x128x1xf32, #tpu.memory_space<vmem>>, vector<1x128x1xf32>
    %add3A = arith.constant 9.99999974E-6 : f32
    %add3A_20 = vector.broadcast %add3A : f32 to vector<1x128x1xf32>
    %add3A_21 = arith.addf %sub3A, %add3A_20 : vector<1x128x1xf32>
    %rsqrt3A = math.rsqrt %add3A_21 : vector<1x128x1xf32>
    %mul3A_22 = arith.mulf %get3A_19, %rsqrt3A : vector<1x128x1xf32>
    %get3A_23 = arith.constant 0 : index
    %get3A_24 = arith.constant 0 : index
    %get3A_25 = arith.constant 0 : index
    %get3A_26 = vector.load %arg6[%get3A_23, %get3A_24, %get3A_25] : memref<1x128x1xf32, #tpu.memory_space<vmem>>, vector<1x128x1xf32>
    %mul3A_27 = arith.mulf %div3A_5, %mul3A_22 : vector<1x128x1xf32>
    %sub3A_28 = arith.subf %get3A_26, %mul3A_27 : vector<1x128x1xf32>
    %ge3A = arith.constant 0.000000e+00 : f32
    %ge3A_29 = vector.broadcast %ge3A : f32 to vector<1x128x1xf32>
    %ge3A_30 = arith.cmpf oge, %mul3A_22, %ge3A_29 : vector<1x128x1xf32>
    %get3A_31 = arith.constant 0 : index
    %get3A_32 = arith.constant 0 : index
    %get3A_33 = arith.constant 0 : index
    %get3A_34 = arith.constant 0 : index
    %get3A_35 = vector.load %arg1[%get3A_31, %get3A_32, %get3A_33, %get3A_34] : memref<4x1x128x512xf32, #tpu.memory_space<vmem>>, vector<4x1x128x512xf32>
    %get3A_36 = arith.constant 0 : index
    %get3A_37 = arith.constant 0 : index
    %get3A_38 = arith.constant 0 : index
    %get3A_39 = arith.constant 0 : index
    %get3A_40 = vector.load %arg2[%get3A_36, %get3A_37, %get3A_38, %get3A_39] : memref<4x1x128x512xf32, #tpu.memory_space<vmem>>, vector<4x1x128x512xf32>
    %broadcast_in_dim3A_41 = vector.shape_cast %ge3A_30 : vector<1x128x1xi1> to vector<1x1x128x1xi1>
    %broadcast_in_dim3A_42 = vector.broadcast %broadcast_in_dim3A_41 : vector<1x1x128x1xi1> to vector<4x1x128x512xi1>
    %select_n3A = arith.select %broadcast_in_dim3A_42, %get3A_35, %get3A_40 : vector<4x1x128x512xi1>, vector<4x1x128x512xf32>
    %broadcast_in_dim3A_43 = vector.shape_cast %mul3A_22 : vector<1x128x1xf32> to vector<1x1x128x1xf32>
    %mul3A_44 = vector.broadcast %broadcast_in_dim3A_43 : vector<1x1x128x1xf32> to vector<4x1x128x512xf32>
    %mul3A_45 = arith.mulf %select_n3A, %mul3A_44 : vector<4x1x128x512xf32>
    %broadcast_in_dim3A_46 = vector.shape_cast %sub3A_28 : vector<1x128x1xf32> to vector<1x1x128x1xf32>
    %add3A_47 = vector.broadcast %broadcast_in_dim3A_46 : vector<1x1x128x1xf32> to vector<4x1x128x512xf32>
    %add3A_48 = arith.addf %mul3A_45, %add3A_47 : vector<4x1x128x512xf32>
    %max3A = arith.constant 0.000000e+00 : f32
    %max3A_49 = vector.broadcast %max3A : f32 to vector<4x1x128x512xf32>
    %max3A_50 = arith.maximumf %add3A_48, %max3A_49 : vector<4x1x128x512xf32>
    %swap3A = arith.constant 0 : index
    %swap3A_51 = arith.constant 0 : index
    %swap3A_52 = arith.constant 0 : index
    %swap3A_53 = arith.constant 0 : index
    %swap3A_54 = vector.load %arg7[%swap3A, %swap3A_51, %swap3A_52, %swap3A_53] : memref<4x1x128x512xf32, #tpu.memory_space<vmem>>, vector<4x1x128x512xf32>
    tpu.vector_store %arg7[%swap3A, %swap3A_51, %swap3A_52, %swap3A_53], %max3A_50 {strides = array<i32>} : memref<4x1x128x512xf32, #tpu.memory_space<vmem>>, vector<4x1x128x512xf32>,
    return
  }
  func.func @transform_0(%arg0: i32) -> (i32, i32, i32, i32) {
    %c0_i32 = arith.constant 0 : i32
    %c0_i32_0 = arith.constant 0 : i32
    %c0_i32_1 = arith.constant 0 : i32
    %c0_i32_2 = arith.constant 0 : i32
    return %c0_i32, %arg0, %c0_i32_0, %c0_i32_1 : i32, i32, i32, i32
  }
  func.func @transform_1(%arg0: i32) -> (i32, i32, i32, i32) {
    %c0_i32 = arith.constant 0 : i32
    %c0_i32_0 = arith.constant 0 : i32
    %c0_i32_1 = arith.constant 0 : i32
    %c0_i32_2 = arith.constant 0 : i32
    return %c0_i32, %arg0, %c0_i32_0, %c0_i32_1 : i32, i32, i32, i32
  }
  func.func @transform_2(%arg0: i32) -> (i32, i32, i32) {
    %c0_i32 = arith.constant 0 : i32
    %c0_i32_0 = arith.constant 0 : i32
    %c0_i32_1 = arith.constant 0 : i32
    return %arg0, %c0_i32, %c0_i32_0 : i32, i32, i32
  }
  func.func @transform_3(%arg0: i32) -> (i32, i32, i32) {
    %c0_i32 = arith.constant 0 : i32
    %c0_i32_0 = arith.constant 0 : i32
    %c0_i32_1 = arith.constant 0 : i32
    return %arg0, %c0_i32, %c0_i32_0 : i32, i32, i32
  }
  func.func @transform_4(%arg0: i32) -> (i32, i32, i32) {
    %c0_i32 = arith.constant 0 : i32
    %c0_i32_0 = arith.constant 0 : i32
    %c0_i32_1 = arith.constant 0 : i32
    return %arg0, %c0_i32, %c0_i32_0 : i32, i32, i32
  }
  func.func @transform_5(%arg0: i32) -> (i32, i32, i32) {
    %c0_i32 = arith.constant 0 : i32
    %c0_i32_0 = arith.constant 0 : i32
    %c0_i32_1 = arith.constant 0 : i32
    return %arg0, %c0_i32, %c0_i32_0 : i32, i32, i32
  }
  func.func @transform_6(%arg0: i32) -> (i32, i32, i32, i32) {
    %c0_i32 = arith.constant 0 : i32
    %c0_i32_0 = arith.constant 0 : i32
    %c0_i32_1 = arith.constant 0 : i32
    %c0_i32_2 = arith.constant 0 : i32
    return %c0_i32, %arg0, %c0_i32_0, %c0_i32_1 : i32, i32, i32, i32
  }
}

</mosaic_0001>

<sc_bundles>
// kernel: kernel.8.cloned.1.call-start
scs
__scs_entry_jumppad:
0x0: {  	(pc) =	sbr.rel $0x88, $3  }
0x1: {  	(tag) =	ssettag $0x0;
	lr =	simm.s32 $0x1  }
0x2: {  	[smem:$0x3F9B] =	sst lr;
	_ =	strace $0xD0000000  }
0x3: {  	_ = 	snop  }
0x4: {  	_ = 	snop  }
0x5: {  	_ = 	snop  }
0x6: {  	_ = 	snop  }
0x7: {  	_ = 	snop  }
__scs_overlays_trampoline_lowered:
0x8: {  	[smem:$0x3FAA] =	sst s0  }
0x9: {  	[smem:$0x3FAB] =	sst s1  }
0xa: {  	[smem:$0x3FAC] =	sst s2  }
0xb: {  	[smem:$0x3FAD] =	sst s3  }
0xc: {  	[smem:$0x3FAE] =	sst s4  }
0xd: {  	[smem:$0x3FAF] =	sst s5  }
0xe: {  	[smem:$0x3FB0] =	sst s6  }
0xf: {  	[smem:$0x3FB1] =	sst s7  }
0x10: {  	[smem:$0x3FB2] =	sst s8  }
0x11: {  	[smem:$0x3FB3] =	sst s9;
	s0 =	simm.s32 @!p0 $0x0  }
0x12: {  	s1 =	sld [smem:$0x3F99];
	s0 =	simm.s32 @p0 $0x1  }
0x13: {  	[smem:$0x3FB4] =	sst s0;
	s0 =	simm.s32 @!p1 $0x0  }
0x14: {  	s2 =	sld [smem:$0x3F98];
	s0 =	simm.s32 @p1 $0x1  }
0x15: {  	[smem:$0x3FB5] =	sst s0;
	s0 =	simm.s32 @!p2 $0x0  }
0x16: {  	s3 =	sld [smem:$0x3FDB];
	s0 =	simm.s32 @p2 $0x1  }
0x17: {  	s4 =	simm.s32 $0x1BF5;
	[smem:$0x3FB7] =	sst s0  }
0x18: {  	s0 =	sld [smem:$0x3F9A];
	_ =	swait.ge [sflag:s4], $0x0  }
0x19: {  	s7 =	sld [smem:$0x3F9B]  }
0x1a: {  	s8 =	sadd.s32 $0xFFFFE003, lr  }
0x1b: {  	s9 =	sadd.s32 $0xFFFFFEF7, lr;
	s5 =	simm.s32 $0xFFFFFFFF;
	p2 =	slt.u32 s8, $0xFFFFF086  }
0x1c: {  	p1 =	slt.u32 s9, $0xF7A;
	s5 =	simm.s32 @!p2 $0x0  }
0x1d: {  	s5 =	simm.s32 @p1 $0x1;
	p0 =	seq.s32 s7, s2  }
0x1e: {  	s7 =	smul.u32 @!p0 $0xF7A, s2;
	p2 =	seq.s32 @!p0 s5, $0x0  }
0x1f: {  	s9 =	smul.u32 $0xF7A, s1;
	s8 =	simm.s32 @!p0 $0x1BF5;
	p2 =	por !p2, p0  }
0x20: {  	[sflag:s8] =	ssyncset.s32 @!p0 $0xFFFFF086;
	s6 =	sadd.s32 @!p0 s3, s7;
	s7 =	simm.s32 @!p0 $0x108  }
0x21: {  	s3 =	sadd.s32 s3, s9;
	s6 =	sadd.s32 @!p0 $0x88, s6;
	s7 =	simm.s32 @p2 $0x1082  }
0x22: {  	[simem:s7], [sflag:s8] =	dma.local @!p0 [hbm:s6], $0xF7A  }
0x23: {  	s9 =	sor.u32 $0xD0000000, s2;
	s6 =	simm.s32 $0x108;
	_ =	swait.ge @!p0 [sflag:s8], $0x0  }
0x24: {  	s3 =	sadd.s32 $0x88, s3;
	s6 =	simm.s32 @!p1 $0x1082;
	[sflag:s4] =	ssyncset.s32 $0xFFFFF086  }
0x25: {  	[simem:s6], [sflag:s4] =	dma.local [hbm:s3], $0xF7A  }
0x26: {  	[smem:$0x3F9B] =	sst s1;
	(tag) =	ssettag s2;
	_ =	strace s9  }
0x27: {  	s1 =	sld [smem:$0x3FAB]  }
0x28: {  	s2 =	sld [smem:$0x3FAC]  }
0x29: {  	s4 =	sld [smem:$0x3FAE]  }
0x2a: {  	p0 =	seq.s32 s5, $0x0;
	s5 =	sld [smem:$0x3FAF]  }
0x2b: {  	s6 =	sld [smem:$0x3FB0]  }
0x2c: {  	s7 =	sld [smem:$0x3FB1]  }
0x2d: {  	s3 =	simm.s32 $0x108;
	s8 =	sld [smem:$0x3FB2]  }
0x2e: {  	s3 =	simm.s32 @!p0 $0x1082;
	s9 =	sld [smem:$0x3FB3]  }
0x2f: {  	lr =	sadd.s32 s0, s3;
	s0 =	sld [smem:$0x3FAA]  }
0x30: {  	s3 =	sld [smem:$0x3FAD]  }
0x31: {  	[smem:$0x3FB6] =	sst s10  }
0x32: {  	s10 =	sld [smem:$0x3FB4];
	_ =	sdelay $0x3  }
0x33: {  	p0 =	seq.s32 s10, $0x1;
	s10 =	sld [smem:$0x3FB6];
	_ =	sdelay $0x3  }
0x34: {  	[smem:$0x3FB6] =	sst s10  }
0x35: {  	s10 =	sld [smem:$0x3FB5];
	_ =	sdelay $0x3  }
0x36: {  	p1 =	seq.s32 s10, $0x1;
	s10 =	sld [smem:$0x3FB6];
	_ =	sdelay $0x3  }
0x37: {  	[smem:$0x3FB6] =	sst s10  }
0x38: {  	s10 =	sld [smem:$0x3FB7]  }
0x39: {  	_ = 	snop;
	(pc) =	sbr.ind lr, $3  }
0x3a: {  	_ = 	snop  }
0x3b: {  	_ = 	snop  }
0x3c: {  	p2 =	seq.s32 s10, $0x1;
	s10 =	sld [smem:$0x3FB6]  }
0x3d: {  	_ =	shalt  }
0x3e: {  	_ =	shalt  }
0x3f: {  	_ =	shalt  }
0x40: {  	_ =	shalt  }
0x41: {  	_ =	shalt  }
0x42: {  	_ =	shalt  }
0x43: {  	_ =	shalt  }
0x44: {  	_ =	shalt  }
0x45: {  	_ =	shalt  }
0x46: {  	_ =	shalt  }
0x47: {  	_ =	shalt  }
0x48: {  	_ =	shalt  }
0x49: {  	_ =	shalt  }
0x4a: {  	_ =	shalt  }
0x4b: {  	_ =	shalt  }
0x4c: {  	_ =	shalt  }
0x4d: {  	_ =	shalt  }
0x4e: {  	_ =	shalt  }
0x4f: {  	_ =	shalt  }
0x50: {  	_ =	shalt  }
0x51: {  	_ =	shalt  }
0x52: {  	_ =	shalt  }
0x53: {  	_ =	shalt  }
0x54: {  	_ =	shalt  }
0x55: {  	_ =	shalt  }
0x56: {  	_ =	shalt  }
0x57: {  	_ =	shalt  }
0x58: {  	_ =	shalt  }
0x59: {  	_ =	shalt  }
0x5a: {  	_ =	shalt  }
0x5b: {  	_ =	shalt  }
0x5c: {  	_ =	shalt  }
0x5d: {  	_ =	shalt  }
0x5e: {  	_ =	shalt  }
0x5f: {  	_ =	shalt  }
0x60: {  	_ =	shalt  }
0x61: {  	_ =	shalt  }
0x62: {  	_ =	shalt  }
0x63: {  	_ =	shalt  }
0x64: {  	_ =	shalt  }
0x65: {  	_ =	shalt  }
0x66: {  	_ =	shalt  }
0x67: {  	_ =	shalt  }
0x68: {  	_ =	shalt  }
0x69: {  	_ =	shalt  }
0x6a: {  	_ =	shalt  }
0x6b: {  	_ =	shalt  }
0x6c: {  	_ =	shalt  }
0x6d: {  	_ =	shalt  }
0x6e: {  	_ =	shalt  }
0x6f: {  	_ =	shalt  }
0x70: {  	_ =	shalt  }
0x71: {  	_ =	shalt  }
0x72: {  	_ =	shalt  }
0x73: {  	_ =	shalt  }
0x74: {  	_ =	shalt  }
0x75: {  	_ =	shalt  }
0x76: {  	_ =	shalt  }
0x77: {  	_ =	shalt  }
0x78: {  	_ =	shalt  }
0x79: {  	_ =	shalt  }
0x7a: {  	_ =	shalt  }
0x7b: {  	_ =	shalt  }
0x7c: {  	_ =	shalt  }
0x7d: {  	_ =	shalt  }
0x7e: {  	_ =	shalt  }
0x7f: {  	_ =	shalt  }
0x80: {  	_ =	shalt  }
0x81: {  	_ =	shalt  }
0x82: {  	_ =	shalt  }
0x83: {  	_ =	shalt  }
0x84: {  	_ =	shalt  }
0x85: {  	_ =	shalt  }
0x86: {  	_ =	shalt  }
0x87: {  	_ =	shalt  }
.Lfunc_end0:
.L_simem_size_0:
called_computation_lowered:
.L_overlay_start_0:
0x88: {  	s2 =	sld [smem:$0x3FD9]  }
0x89: {  	s3 =	sld [smem:$0x3FFE];
	_ =	sdelay $0x1  }
0x8a: {  	s1 =	srdreg.scid  }
0x8b: {  	s0 =	sand.u32 $0x1, s1  }
0x8c: {  	s16 =	sshll.u32 s0, $0xA;
	s2 =	sadd.s32 s3, s2  }
0x8d: {  	s2 =	sadd.s32 s2, s16  }
0x8e: {  	[smem:$0x3FC2] =	sst s2  }
0x8f: {  	_ = 	snop  }
0x90: {  	(tm) =	ssettm $0x1  }
0x91: {  	s17 =	sld [smem:$0x3FFB];
	_ =	sdelay $0x3  }
0x92: {  	_ =	strace s17  }
0x93: {  	s2 =	sld [smem:$0x3FFC];
	_ =	sdelay $0x3  }
0x94: {  	_ =	strace s2  }
0x95: {  	s2 =	sld [smem:$0x3FFD];
	_ =	sdelay $0x3  }
0x96: {  	_ =	strace s2  }
0x97: {  	_ =	strace $0x8FFFFFFF  }
0x98: {  	s18 =	sld [smem:$0x3FDB];
	_ =	sdelay $0x1  }
0x99: {  	s19 =	simm.s32 $_scs_section_size  }
0x9a: {  	s4 =	simm.s32 $_size__tile_overlayer_lowered;
	s5 =	simm.s32 $_tile_overlayer_lowered  }
0x9b: {  	s22 =	simm.s32 $0x1BFF;
	s21 =	sshll.u32 s5, $0x1;
	s2 =	sadd.s32 s19, s18  }
0x9c: {  	s6 =	simm.s32 $0x0;
	s20 =	sshll.u32 s4, $0x1;
	s4 =	sadd.s32 s21, s2  }
0x9d: {  	[timem:s6], [sflag:s22] =	dma.local [hbm:s4], s20  }
0x9e: {  	_ =	swait.ge [sflag:s22], s20  }
0x9f: {  	s3 =	ssub.s32 $0x0, s20;
	[sflag:s22] =	ssyncset.done $0x0  }
0xa0: {  	[sflag:s22] =	ssyncadd.s32 s3;
	_ =	sdelay $0x1  }
0xa1: {  	s23 =	simm.s32 $0x1B8B  }
0xa2: {  	_ =	swait.ge [sflag:s23], $0x1  }
0xa3: {  	[sflag:s23] =	ssyncset.done $0x0  }
0xa4: {  	s25 =	simm.s32 $0x1B8E;
	s24 =	sld [smem:$0x3FFE];
	[sflag:s23] =	ssyncadd.s32 $0xFFFFFFFF  }
0xa5: {  	s26 =	simm.s32 $execute0_lowered;
	[smem:$0x3FD2] =	sst s25  }
0xa6: {  	s4 =	sshll.u32 s26, $0x1;
	_ =	strace $0x80000046;
	[dreg:$0x1] =	wrdreg $0xFFFFFFFF  }
0xa7: {  	s28 =	simm.s32 $_size_execute0_lowered;
	s2 =	sadd.s32 s2, s4;
	[dreg:$0x0] =	wrdreg $0x0  }
0xa8: {  	s4 =	sshll.u32 s28, $0x1;
	[dreg:$0x2] =	wrdreg s2  }
0xa9: {  	[dreg:$0x3] =	wrdreg s4  }
0xaa: {  	[dreg:$0x4] =	wrdreg $0xC0  }
0xab: {  	_ =	task [dreg:s6], $0x5FFFF  }
0xac: {  	[dreg:$0x1] =	wrdreg $0xFFFFFFFF  }
0xad: {  	[dreg:$0x0] =	wrdreg $0x60  }
0xae: {  	[dreg:$0x2] =	wrdreg s24  }
0xaf: {  	[dreg:$0x3] =	wrdreg $0x9  }
0xb0: {  	_ =	task.clear_ibuf [dreg:s6], $0x4FFFF;
	_ =	strace $0x90000046  }
0xb1: {  	s29 =	simm.s32 $0x9;
	_ =	strace $0x80000048  }
0xb2: {  	_ =	swait.ge [sflag:s29], $0x1  }
0xb3: {  	[sflag:s29] =	ssyncadd.s32 $0xFFFFFFFF  }
0xb4: {  	_ =	strace $0x90000048  }
0xb5: {  	_ =	sfence  }
0xb6: {  	s30 =	sld [smem:$0x0];
	_ =	sdelay $0x2  }
0xb7: {  	s31 =	sshll.u32 s1, $0xD;
	s1 =	sshrl.u32 s1, $0x2  }
0xb8: {  	s3 =	sand.u32 $0x4000, s31;
	s1 =	sadd.s32 s1, s30  }
0xb9: {  	s0 =	sor.u32 s3, s0;
	s1 =	sshll.u32 s1, $0x11  }
0xba: {  	s0 =	sor.u32 s1, s0  }
0xbb: {  	s0 =	sadd.s32 $0x8F2B, s0  }
0xbc: {  	[sflag:s0] =	ssyncadd.remote.s32 $0x1  }
0xbd: {  	_ =	sfence.sel $0xFFFF  }
0xbe: {  	[dreg:$0x0] =	wrdreg $0xFFFFFFFF;
	(pc) =	sbr.abs _section_cstart, $3  }
0xbf: {  	[dreg:$0x1] =	wrdreg $0xFFFFFFFF  }
0xc0: {  	_ =	task.clear_ibuf [dreg:s6], $0x2FFFF;
	_ =	strace $0x9FFFFFFF  }
0xc1: {  	(tm) =	ssettm $0x7FFFFFFF  }
tec
execute0_lowered:
.L_overlay_start_1:
0x0: {  	(tag) =	ssettag $0x1  }
0x1: {  	s5 =	rddreg [dreg:$0x0]  }
0x2: {  	s0 =	rddreg [dreg:$0x1];
	s3 =	srdreg.scid;
	s2 =	simm.s32 $0x0  }
0x3: {  	s1 =	stileid.u32;
	s11 =	simm.s32 $0x2000;
	s12 =	simm.s32 $0x2800  }
0x4: {  	s13 =	simm.s32 $0x3000;
	s14 =	simm.s32 $0x3800;
	s15 =	simm.s32 $0x4000  }
0x5: {  	s16 =	simm.s32 $0x4800;
	s17 =	simm.s32 $0x5000;
	s18 =	simm.s32 $0x5800  }
0x6: {  	s19 =	simm.s32 $0x6000;
	s20 =	simm.s32 $0x6800;
	s21 =	simm.s32 $0x7000  }
0x7: {  	s22 =	simm.s32 $0x7800;
	s23 =	simm.s32 $0x8800;
	s24 =	simm.s32 $0x1  }
0x8: {  	s25 =	simm.s32 $0x0;
	s4 =	sand.u32 $0x1, s3;
	[smem:$0x7FF] =	sst s2  }
0x9: {  	s6 =	sshll.u32 s1, $0xA;
	s3 =	sadd.s32 $0x5A00, s5;
	s31 =	sshll.u32 s1, $0x12  }
0xa: {  	s7 =	sshll.u32 s4, $0x9;
	_ =	strace $0x80000047;
	s8 =	ssub.s32 $0x2, s4  }
.Ltmp0:
0xb: {  	s10 =	sshll.u32 s4, $0x11;
	s6 =	sor.u32 s7, s6;
	(pc) =	sbr.rel .LBB2_1-.Ltmp0, $4  }
0xc: {  	s7 =	sadd.s32 s31, s5;
	s9 =	sshrl.u32 s8, $0x1;
	s6 =	sadd.s32 s6, s5  }
0xd: {  	v2 =	vlaneseq.u32;
	s8 =	ssub.s32 s8, s9;
	s7 =	sadd.s32 s10, s7;
	s5 =	sadd.s32 $0x5B00, s5  }
0xe: {  	vm0 =	vmmov $0xffff;
	v1 =	vshrl.u32 v2, $0x3;
	s9 =	simm.s32 $0x1000;
	s10 =	simm.s32 $0x1800;
	s4 =	sadd.s32 $0x1A00, s6  }
0xf: {  	v0 =	vand.u32 $0x7, v2;
	v2 =	vor.u32 $0x8, v2;
	v1 =	vmul.u32 $0x8, v1;
	s6 =	smax.u32 s8, $0x1;
	s7 =	sadd.s32 $0x85A00, s7;
	s8 =	simm.s32 $0x2  }
.LBB2_5:
0x10: {  	s25 =	sadd.s32 $0x1, s25  }
0x11: {  	p0 =	sne.s32 s25, s6  }
.Ltmp1:
0x12: {  	_ = 	snop;
	(pc) =	sbr.rel @!p0 .LBB2_6-.Ltmp1, $1  }
0x13: {  	_ =	sdelay $0x3  }
.LBB2_1:
0x14: {  	[tilespmem:s2], [sflag:$0x2] =	stream.linear.gather [hbm4b:s4+s2], $0x1000, $0x38;
	[tilespmem:$0x11000] =	vst v63  }
0x15: {  	_ =	swait.ge [sflag:s8], $0x1000  }
0x16: {  	[sflag:s8] =	ssyncset.done $0x0  }
0x17: {  	[sflag:s8] =	ssyncadd.s32 $0xFFFFF000  }
0x18: {  	v3 =	vld [tilespmem:$0x0];
	_ =	sdelay $0x4  }
0x19: {  	v4 =	vshll.u32 v3, $0x2  }
0x1a: {  	v3 =	vand.u32 $0x7, v3;
	v4 =	vand.u32 $0xFFFFFFE0, v4  }
0x1b: {  	v3 =	vor.u32 v3, v4  }
0x1c: {  	v4 =	vperm.xlane v3, v0;
	_ =	sdelay $0x1  }
0x1d: {  	v4 =	vadd.s32 v1, v4;
	_ =	sdelay $0x1  }
0x1e: {  	v3 =	vperm.xlane v3, v2;
	_ =	sdelay $0x1  }
0x1f: {  	v3 =	vadd.s32 v1, v3  }
0x20: {  	[tilespmem:s9], [sflag:$0x1] =	stream.indirect_vreg.gather [hbm4b:s3+s2], $0x80, v4, vm0, $0xb8;
	[tilespmem:$0x11000] =	vst v63  }
0x21: {  	_ = 	snop  }
0x22: {  	[tilespmem:s10], [sflag:$0x1] =	stream.indirect_vreg.gather [hbm4b:s5+s2], $0x80, v4, vm0, $0xb8;
	[tilespmem:$0x11000] =	vst v63  }
0x23: {  	_ = 	snop  }
0x24: {  	[tilespmem:s11], [sflag:$0x1] =	stream.indirect_vreg.gather [hbm4b:s3+s2], $0x80, v3, vm0, $0xb8;
	[tilespmem:$0x11000] =	vst v63  }
0x25: {  	_ = 	snop  }
0x26: {  	[tilespmem:s12], [sflag:$0x1] =	stream.indirect_vreg.gather [hbm4b:s5+s2], $0x80, v3, vm0, $0xb8;
	[tilespmem:$0x11000] =	vst v63  }
0x27: {  	v3 =	vld [tilespmem:$0x10];
	_ =	sdelay $0x4  }
0x28: {  	v61 =	vshll.u32 v3, $0x2  }
0x29: {  	v3 =	vand.u32 $0x7, v3;
	v4 =	vand.u32 $0xFFFFFFE0, v61  }
0x2a: {  	v3 =	vor.u32 v3, v4  }
0x2b: {  	v4 =	vperm.xlane v3, v0;
	_ =	sdelay $0x1  }
0x2c: {  	v4 =	vadd.s32 v1, v4;
	_ =	sdelay $0x1  }
0x2d: {  	v3 =	vperm.xlane v3, v2;
	_ =	sdelay $0x1  }
0x2e: {  	v3 =	vadd.s32 v1, v3  }
0x2f: {  	[tilespmem:s13], [sflag:$0x1] =	stream.indirect_vreg.gather [hbm4b:s3+s2], $0x80, v4, vm0, $0xb8;
	[tilespmem:$0x11000] =	vst v63  }
0x30: {  	_ = 	snop  }
0x31: {  	[tilespmem:s14], [sflag:$0x1] =	stream.indirect_vreg.gather [hbm4b:s5+s2], $0x80, v4, vm0, $0xb8;
	[tilespmem:$0x11000] =	vst v63  }
0x32: {  	_ = 	snop  }
0x33: {  	[tilespmem:s15], [sflag:$0x1] =	stream.indirect_vreg.gather [hbm4b:s3+s2], $0x80, v3, vm0, $0xb8;
	[tilespmem:$0x11000] =	vst v63  }
0x34: {  	_ = 	snop  }
0x35: {  	[tilespmem:s16], [sflag:$0x1] =	stream.indirect_vreg.gather [hbm4b:s5+s2], $0x80, v3, vm0, $0xb8;
	[tilespmem:$0x11000] =	vst v63  }
0x36: {  	v3 =	vld [tilespmem:$0x20];
	_ =	sdelay $0x4  }
0x37: {  	v62 =	vshll.u32 v3, $0x2  }
0x38: {  	v3 =	vand.u32 $0x7, v3;
	v4 =	vand.u32 $0xFFFFFFE0, v62  }
0x39: {  	v3 =	vor.u32 v3, v4  }
0x3a: {  	v4 =	vperm.xlane v3, v0;
	_ =	sdelay $0x1  }
0x3b: {  	v4 =	vadd.s32 v1, v4;
	_ =	sdelay $0x1  }
0x3c: {  	v3 =	vperm.xlane v3, v2;
	_ =	sdelay $0x1  }
0x3d: {  	v3 =	vadd.s32 v1, v3  }
0x3e: {  	[tilespmem:s17], [sflag:$0x1] =	stream.indirect_vreg.gather [hbm4b:s3+s2], $0x80, v4, vm0, $0xb8;
	[tilespmem:$0x11000] =	vst v63  }
0x3f: {  	_ = 	snop  }
0x40: {  	[tilespmem:s18], [sflag:$0x1] =	stream.indirect_vreg.gather [hbm4b:s5+s2], $0x80, v4, vm0, $0xb8;
	[tilespmem:$0x11000] =	vst v63  }
0x41: {  	_ = 	snop  }
0x42: {  	[tilespmem:s19], [sflag:$0x1] =	stream.indirect_vreg.gather [hbm4b:s3+s2], $0x80, v3, vm0, $0xb8;
	[tilespmem:$0x11000] =	vst v63  }
0x43: {  	_ = 	snop  }
0x44: {  	[tilespmem:s20], [sflag:$0x1] =	stream.indirect_vreg.gather [hbm4b:s5+s2], $0x80, v3, vm0, $0xb8;
	[tilespmem:$0x11000] =	vst v63  }
0x45: {  	v3 =	vld [tilespmem:$0x30];
	_ =	sdelay $0x4  }
0x46: {  	v63 =	vshll.u32 v3, $0x2  }
0x47: {  	v3 =	vand.u32 $0x7, v3;
	v4 =	vand.u32 $0xFFFFFFE0, v63  }
0x48: {  	v3 =	vor.u32 v3, v4  }
0x49: {  	v4 =	vperm.xlane v3, v0;
	_ =	sdelay $0x1  }
0x4a: {  	v4 =	vadd.s32 v1, v4;
	_ =	sdelay $0x2  }
0x4b: {  	v3 =	vperm.xlane v3, v2;
	_ =	sdelay $0x1  }
0x4c: {  	v3 =	vadd.s32 v1, v3;
	[tilespmem:s21], [sflag:$0x1] =	stream.indirect_vreg.gather [hbm4b:s3+s2], $0x80, v4, vm0, $0xb8;
	[tilespmem:$0x11000] =	vst v63  }
0x4d: {  	_ = 	snop  }
0x4e: {  	[tilespmem:s22], [sflag:$0x1] =	stream.indirect_vreg.gather [hbm4b:s5+s2], $0x80, v4, vm0, $0xb8;
	[tilespmem:$0x11000] =	vst v63  }
.Ltmp2:
0x4f: {  	_ = 	snop;
	(pc) =	sbr.rel .LBB2_2-.Ltmp2, $4  }
0x50: {  	s26 =	simm.s32 $0x8000  }
0x51: {  	[tilespmem:s26], [sflag:$0x1] =	stream.indirect_vreg.gather [hbm4b:s3+s2], $0x80, v3, vm0, $0xb8;
	[tilespmem:$0x11000] =	vst v63  }
0x52: {  	s28 =	simm.s32 $0xB0;
	s29 =	smov.u32 s7  }
0x53: {  	[tilespmem:s23], [sflag:$0x1] =	stream.indirect_vreg.gather [hbm4b:s5+s2], $0x80, v3, vm0, $0xb8;
	[tilespmem:$0x11000] =	vst v63  }
.LBB2_4:
0x54: {  	s30 =	sadd.s32 $0xFFFF8000, s26;
	s26 =	sadd.s32 $0x8000, s26  }
0x55: {  	s30 =	sand.u32 $0x8000, s30;
	p0 =	sne.s32 s26, $0x108000  }
.Ltmp3:
0x56: {  	s30 =	sor.u32 $0x1000, s30;
	(pc) =	sbr.rel @!p0 .LBB2_5-.Ltmp3, $4  }
0x57: {  	[hbm4b:s29+s2] =	stream.linear.scatter [tilespmem:s30], [sflag:$0x2], $0x8000, $0x38;
	[tilespmem:$0x11000] =	vst v63  }
0x58: {  	_ =	swait.ge [sflag:s8], $0x8000  }
0x59: {  	[sflag:s8] =	ssyncset.done $0x0  }
0x5a: {  	s28 =	sadd.s32 $0x80, s28;
	s29 =	sadd.s32 $0x1000, s29;
	[sflag:s8] =	ssyncadd.s32 $0xFFFF8000  }
.LBB2_2:
0x5b: {  	p0 =	seq.s32 s26, $0x100000  }
.Ltmp4:
0x5c: {  	_ = 	snop;
	(pc) =	sbr.rel @p0 .LBB2_4-.Ltmp4, $4  }
0x5d: {  	_ = 	snop  }
0x5e: {  	_ =	swait.ge [sflag:s24], $0x8000  }
0x5f: {  	[sflag:s24] =	ssyncset.done $0x0  }
0x60: {  	[sflag:s24] =	ssyncadd.s32 $0xFFFF8000  }
0x61: {  	v3 =	vld [tilespmem:s28+$0xFFFFFFD0];
	_ =	sdelay $0x4  }
0x62: {  	v4 =	vshll.u32 v3, $0x2  }
0x63: {  	v3 =	vand.u32 $0x7, v3;
	v4 =	vand.u32 $0xFFFFFFE0, v4  }
0x64: {  	v3 =	vor.u32 v3, v4  }
0x65: {  	v4 =	vperm.xlane v3, v0;
	_ =	sdelay $0x1  }
0x66: {  	v4 =	vadd.s32 v1, v4;
	_ =	sdelay $0x1  }
0x67: {  	v3 =	vperm.xlane v3, v2  }
0x68: {  	s30 =	sand.u32 $0x8000, s26  }
0x69: {  	s31 =	sor.u32 $0x1000, s30;
	v3 =	vadd.s32 v1, v3  }
0x6a: {  	[tilespmem:s31], [sflag:$0x1] =	stream.indirect_vreg.gather [hbm4b:s3+s2], $0x80, v4, vm0, $0xb8;
	[tilespmem:$0x11000] =	vst v63  }
0x6b: {  	s31 =	sor.u32 $0x1800, s30  }
0x6c: {  	[tilespmem:s31], [sflag:$0x1] =	stream.indirect_vreg.gather [hbm4b:s5+s2], $0x80, v4, vm0, $0xb8;
	[tilespmem:$0x11000] =	vst v63  }
0x6d: {  	s31 =	sor.u32 $0x2000, s30  }
0x6e: {  	[tilespmem:s31], [sflag:$0x1] =	stream.indirect_vreg.gather [hbm4b:s3+s2], $0x80, v3, vm0, $0xb8;
	[tilespmem:$0x11000] =	vst v63  }
0x6f: {  	s31 =	sor.u32 $0x2800, s30  }
0x70: {  	[tilespmem:s31], [sflag:$0x1] =	stream.indirect_vreg.gather [hbm4b:s5+s2], $0x80, v3, vm0, $0xb8;
	[tilespmem:$0x11000] =	vst v63  }
0x71: {  	v3 =	vld [tilespmem:s28+$0xFFFFFFE0];
	_ =	sdelay $0x4  }
0x72: {  	v61 =	vshll.u32 v3, $0x2  }
0x73: {  	v3 =	vand.u32 $0x7, v3;
	v4 =	vand.u32 $0xFFFFFFE0, v61  }
0x74: {  	v3 =	vor.u32 v3, v4  }
0x75: {  	v4 =	vperm.xlane v3, v0;
	_ =	sdelay $0x1  }
0x76: {  	v4 =	vadd.s32 v1, v4;
	_ =	sdelay $0x1  }
0x77: {  	v3 =	vperm.xlane v3, v2;
	_ =	sdelay $0x1  }
0x78: {  	s31 =	sor.u32 $0x3000, s30;
	v3 =	vadd.s32 v1, v3  }
0x79: {  	[tilespmem:s31], [sflag:$0x1] =	stream.indirect_vreg.gather [hbm4b:s3+s2], $0x80, v4, vm0, $0xb8;
	[tilespmem:$0x11000] =	vst v63  }
0x7a: {  	s31 =	sor.u32 $0x3800, s30  }
0x7b: {  	[tilespmem:s31], [sflag:$0x1] =	stream.indirect_vreg.gather [hbm4b:s5+s2], $0x80, v4, vm0, $0xb8;
	[tilespmem:$0x11000] =	vst v63  }
0x7c: {  	s31 =	sor.u32 $0x4000, s30  }
0x7d: {  	[tilespmem:s31], [sflag:$0x1] =	stream.indirect_vreg.gather [hbm4b:s3+s2], $0x80, v3, vm0, $0xb8;
	[tilespmem:$0x11000] =	vst v63  }
0x7e: {  	s31 =	sor.u32 $0x4800, s30  }
0x7f: {  	[tilespmem:s31], [sflag:$0x1] =	stream.indirect_vreg.gather [hbm4b:s5+s2], $0x80, v3, vm0, $0xb8;
	[tilespmem:$0x11000] =	vst v63  }
0x80: {  	v3 =	vld [tilespmem:s28+$0xFFFFFFF0];
	_ =	sdelay $0x4  }
0x81: {  	v62 =	vshll.u32 v3, $0x2  }
0x82: {  	v3 =	vand.u32 $0x7, v3;
	v4 =	vand.u32 $0xFFFFFFE0, v62  }
0x83: {  	v3 =	vor.u32 v3, v4  }
0x84: {  	v4 =	vperm.xlane v3, v0;
	_ =	sdelay $0x1  }
0x85: {  	v4 =	vadd.s32 v1, v4;
	_ =	sdelay $0x1  }
0x86: {  	v3 =	vperm.xlane v3, v2;
	_ =	sdelay $0x1  }
0x87: {  	s31 =	sor.u32 $0x5000, s30;
	v3 =	vadd.s32 v1, v3  }
0x88: {  	[tilespmem:s31], [sflag:$0x1] =	stream.indirect_vreg.gather [hbm4b:s3+s2], $0x80, v4, vm0, $0xb8;
	[tilespmem:$0x11000] =	vst v63  }
0x89: {  	s31 =	sor.u32 $0x5800, s30  }
0x8a: {  	[tilespmem:s31], [sflag:$0x1] =	stream.indirect_vreg.gather [hbm4b:s5+s2], $0x80, v4, vm0, $0xb8;
	[tilespmem:$0x11000] =	vst v63  }
0x8b: {  	s31 =	sor.u32 $0x6000, s30  }
0x8c: {  	[tilespmem:s31], [sflag:$0x1] =	stream.indirect_vreg.gather [hbm4b:s3+s2], $0x80, v3, vm0, $0xb8;
	[tilespmem:$0x11000] =	vst v63  }
0x8d: {  	s31 =	sor.u32 $0x6800, s30  }
0x8e: {  	[tilespmem:s31], [sflag:$0x1] =	stream.indirect_vreg.gather [hbm4b:s5+s2], $0x80, v3, vm0, $0xb8;
	[tilespmem:$0x11000] =	vst v63  }
0x8f: {  	v3 =	vld [tilespmem:s28+$0x0];
	_ =	sdelay $0x4  }
0x90: {  	v63 =	vshll.u32 v3, $0x2  }
0x91: {  	v3 =	vand.u32 $0x7, v3;
	v4 =	vand.u32 $0xFFFFFFE0, v63  }
0x92: {  	v3 =	vor.u32 v3, v4  }
0x93: {  	v4 =	vperm.xlane v3, v0;
	_ =	sdelay $0x1  }
0x94: {  	v4 =	vadd.s32 v1, v4;
	_ =	sdelay $0x2  }
0x95: {  	v3 =	vperm.xlane v3, v2  }
0x96: {  	s31 =	sor.u32 $0x7000, s30  }
0x97: {  	v3 =	vadd.s32 v1, v3;
	[tilespmem:s31], [sflag:$0x1] =	stream.indirect_vreg.gather [hbm4b:s3+s2], $0x80, v4, vm0, $0xb8;
	[tilespmem:$0x11000] =	vst v63  }
0x98: {  	s31 =	sor.u32 $0x7800, s30  }
0x99: {  	[tilespmem:s31], [sflag:$0x1] =	stream.indirect_vreg.gather [hbm4b:s5+s2], $0x80, v4, vm0, $0xb8;
	[tilespmem:$0x11000] =	vst v63  }
.Ltmp5:
0x9a: {  	_ = 	snop;
	(pc) =	sbr.rel .LBB2_4-.Ltmp5, $4  }
0x9b: {  	s31 =	sadd.s32 $0x8000, s30  }
0x9c: {  	[tilespmem:s31], [sflag:$0x1] =	stream.indirect_vreg.gather [hbm4b:s3+s2], $0x80, v3, vm0, $0xb8;
	[tilespmem:$0x11000] =	vst v63  }
0x9d: {  	s30 =	sadd.s32 $0x8800, s30  }
0x9e: {  	[tilespmem:s30], [sflag:$0x1] =	stream.indirect_vreg.gather [hbm4b:s5+s2], $0x80, v3, vm0, $0xb8;
	[tilespmem:$0x11000] =	vst v63  }
.LBB2_6:
0x9f: {  	_ =	sfence.sel $0x180000  }
0xa0: {  	[bflag:$0x0] =	sbarrier.arrive $0xFFFF  }
0xa1: {  	p0 =	sne.s32 s1, $0x0;
	_ =	strace $0x90000047  }
0xa2: {  	s0 =	sadd.s32 @!p0 $0x100000, s0;
	[bflag:$0x2] =	sbarrier.arrive $0xFFFF  }
0xa3: {  	[sflag:s0] =	ssyncadd.tile.s32 @!p0 $0x1;
	_ =	shalt  }
.Lfunc_end2:
_tile_overlayer_lowered:
.L_overlay_start_2:
0xa4: {  	(tag) =	ssettag $0x2  }
0xa5: {  	s0 =	rddreg [dreg:$0x0];
	s2 =	stileid.u32  }
0xa6: {  	s1 =	rddreg [dreg:$0x1];
	p0 =	sne.s32 s2, $0x0  }
0xa7: {  	s3 =	rddreg [dreg:$0x2];
	[bflag:$0x3] =	sbarrier.arrive $0xFFFF;
	s2 =	simm.s32 @!p0 $0x1C02  }
0xa8: {  	[timem:s3], [sflag:s2] =	dma.local @!p0 [hbm:s0], s1  }
0xa9: {  	s0 =	simm.s32 @!p0 $0x2  }
0xaa: {  	_ =	swait.ge @!p0 [sflag:s0], s1  }
0xab: {  	s1 =	ssub.s32 @!p0 $0x0, s1;
	[sflag:s0] =	ssyncset.done @!p0 $0x0  }
0xac: {  	[sflag:s0] =	ssyncadd.s32 @!p0 s1  }
0xad: {  	[bflag:$0x3] =	sbarrier.arrive $0xFFFF  }
0xae: {  	_ =	shalt  }

</sc_bundles>
